<compile_context>
chip_gen: v7x
topology: tpu7x:2x2x1
jax: 0.10.2.dev20260603
libtpu: 0.0.44.dev20260713+nightly
codegen_flags: <defaults>
</compile_context>

<pallas_src>
import functools

import jax
import jax.numpy as jnp
from jax import lax
from jax.experimental import pallas as pl
from jax.experimental.pallas import tpu as pltpu
from jax.experimental.pallas import tpu_sc as plsc

D = 128
CH = 128
DW = 16
NROWS_PAD = 10240


def _sc_aggregate(x, eif, prow1, pcol1, z128, z16, ones, kpw, tot_real, e):
    info = plsc.get_sparse_core_info()
    nc, ns = info.num_cores, info.num_subcores
    rows_per_tile = NROWS_PAD // ns
    mesh = plsc.VectorSubcoreMesh(core_axis_name="c", subcore_axis_name="s")

    @functools.partial(
        pl.kernel,
        mesh=mesh,
        compiler_params=pltpu.CompilerParams(use_tc_tiling_on_sc=False),
        out_type=[
            jax.ShapeDtypeStruct((nc, NROWS_PAD, D), jnp.float32),
            jax.ShapeDtypeStruct((nc, NROWS_PAD, DW), jnp.float32),
        ],
        scratch_types=(
            [pltpu.VMEM((CH,), jnp.int32)] * 4
            + [pltpu.VMEM((CH,), jnp.int32)] * 4
            + [pltpu.VMEM((CH, D), jnp.float32)] * 2
            + [pltpu.VMEM((CH, DW), jnp.float32)]
            + [pltpu.VMEM_SHARED((NROWS_PAD, D), jnp.float32)]
            + [pltpu.VMEM_SHARED((NROWS_PAD, DW), jnp.float32)]
            + [pltpu.SemaphoreType.DMA] * 10
        ),
    )
    def k(x_hbm, eif_hbm, prow_hbm, pcol_hbm, z128_hbm, z16_hbm,
          ones_hbm, agg_hbm, deg_hbm,
          cc0, cc1, cc2, cc3, rc0, rc1, rc2, rc3, rows0, rows1, ones_v,
          agg, degsp,
          is0, is1, is2, is3, gsem0, gsem1, ssem0, ssem1, dsem0, dsem1):
        c = lax.axis_index("c")
        s = lax.axis_index("s")
        wid = c * ns + s
        nw = nc * ns
        colc = (cc0, cc1, cc2, cc3)
        rowc = (rc0, rc1, rc2, rc3)
        rows = (rows0, rows1)
        isem = (is0, is1, is2, is3)
        gsem = (gsem0, gsem1)
        ssem = (ssem0, ssem1)
        dsem = (dsem0, dsem1)

        for t in range(rows_per_tile // CH):
            pltpu.sync_copy(
                z128_hbm, agg.at[pl.ds(s * rows_per_tile + t * CH, CH)])
        pltpu.sync_copy(z16_hbm, degsp.at[pl.ds(s * rows_per_tile, rows_per_tile)])
        pltpu.sync_copy(ones_hbm, ones_v)
        plsc.subcore_barrier()

        def idx_fetch(g, i):
            cid = wid + g * nw

            @pl.when(cid < tot_real)
            def _():
                e0 = cid * CH
                pltpu.async_copy(eif_hbm.at[pl.ds(e + e0, CH)], colc[i], isem[i])
                pltpu.async_copy(eif_hbm.at[pl.ds(e0, CH)], rowc[i], isem[i])

            @pl.when(cid >= tot_real)
            def _():
                e0 = (cid - tot_real) * CH
                pltpu.async_copy(pcol_hbm.at[pl.ds(e0, CH)], colc[i], isem[i])
                pltpu.async_copy(prow_hbm.at[pl.ds(e0, CH)], rowc[i], isem[i])

        def idx_wait(i):
            pltpu.make_async_copy(
                eif_hbm.at[pl.ds(0, CH)], colc[i], isem[i]).wait()
            pltpu.make_async_copy(
                eif_hbm.at[pl.ds(0, CH)], rowc[i], isem[i]).wait()

        def gather_launch(p, i):
            pltpu.async_copy(x_hbm.at[colc[i]], rows[p], gsem[p])

        def gather_wait(p, i):
            pltpu.make_async_copy(
                x_hbm.at[colc[i]], rows[p], gsem[p]).wait()

        def scatter_launch(p, i):
            pltpu.async_copy(rows[p], agg.at[rowc[i]], ssem[p], add=True)
            pltpu.async_copy(ones_v, degsp.at[rowc[i]], dsem[p], add=True)

        def scatter_wait(p, i):
            pltpu.make_async_copy(
                rows[p], agg.at[rowc[i]], ssem[p]).wait()
            pltpu.make_async_copy(
                ones_v, degsp.at[rowc[i]], dsem[p]).wait()

        idx_fetch(0, 0)
        idx_fetch(1, 1)
        idx_wait(0)
        gather_launch(0, 0)

        def body(h, carry):
            for q in range(4):
                g = 4 * h + q
                p = q % 2
                i = q

                @pl.when((g + 1 < kpw) & (g >= 1))
                def _():
                    scatter_wait(1 - p, (i + 3) % 4)

                @pl.when(g + 1 < kpw)
                def _():
                    idx_wait((i + 1) % 4)
                    gather_launch(1 - p, (i + 1) % 4)

                gather_wait(p, i)
                scatter_launch(p, i)

                @pl.when(g + 2 < kpw)
                def _():
                    idx_fetch(g + 2, (i + 2) % 4)
            return carry

        lax.fori_loop(0, kpw // 4, body, 0)
        scatter_wait(0, 0)
        scatter_wait(1, 0)
        plsc.subcore_barrier()
        pltpu.sync_copy(
            agg.at[pl.ds(s * rows_per_tile, rows_per_tile)],
            agg_hbm.at[c, pl.ds(s * rows_per_tile, rows_per_tile)],
        )
        pltpu.sync_copy(
            degsp.at[pl.ds(s * rows_per_tile, rows_per_tile)],
            deg_hbm.at[c, pl.ds(s * rows_per_tile, rows_per_tile)],
        )

    return k(x, eif, prow1, pcol1, z128, z16, ones)


def _tc_finish_body(x_ref, p_ref, d_ref, w_ref, b_ref, g_ref, be_ref, o_ref):
    s = x_ref[...] + p_ref[0] + p_ref[1]
    h = lax.dot_general(
        s, w_ref[...], (((1,), (1,)), ((), ())),
        preferred_element_type=jnp.float32,
    )
    deg = d_ref[0, :, 0:1] + d_ref[1, :, 0:1] + 1.0
    h = h + deg * b_ref[...]
    mean = jnp.mean(h, axis=1, keepdims=True)
    d = h - mean
    var = jnp.mean(d * d, axis=1, keepdims=True)
    y = d * lax.rsqrt(var + 1e-5) * g_ref[...] + be_ref[...]
    o_ref[...] = jnp.maximum(y, 0.0)


def _tc_finish(x, parts, degs, w, b2, gamma2, beta2):
    n = x.shape[0]
    dout = w.shape[0]
    bs = 2000
    grid = n // bs
    return pl.pallas_call(
        _tc_finish_body,
        grid=(grid,),
        in_specs=[
            pl.BlockSpec((bs, D), lambda i: (i, 0)),
            pl.BlockSpec((2, bs, D), lambda i: (0, i, 0)),
            pl.BlockSpec((2, bs, DW), lambda i: (0, i, 0)),
            pl.BlockSpec((dout, D), lambda i: (0, 0)),
            pl.BlockSpec((1, dout), lambda i: (0, 0)),
            pl.BlockSpec((1, dout), lambda i: (0, 0)),
            pl.BlockSpec((1, dout), lambda i: (0, 0)),
        ],
        out_specs=pl.BlockSpec((bs, dout), lambda i: (i, 0)),
        out_shape=jax.ShapeDtypeStruct((n, dout), jnp.float32),
    )(x, parts, degs, w, b2, gamma2, beta2)


def kernel(x, edge_index, W, b, gamma, beta):
    n, d_in = x.shape
    d_out = W.shape[0]
    e = edge_index.shape[1]
    ei = edge_index.astype(jnp.int32)

    info = plsc.get_sparse_core_info()
    ns = info.num_subcores
    tot = -(-e // CH)
    kpw = (-(-tot // (2 * ns)) + 3) // 4 * 4
    e_pad = 2 * ns * kpw * CH
    tot_real = e // CH
    nsynth = e_pad - e
    ar = jnp.arange(nsynth, dtype=jnp.int32)
    pad_col = jnp.concatenate([ei[1, tot_real * CH:], (ar * 131) % n])
    pad_row = jnp.concatenate(
        [ei[0, tot_real * CH:], n + ar % (NROWS_PAD - n)])

    z128 = jnp.zeros((CH, D), jnp.float32)
    z16 = jnp.zeros((NROWS_PAD // 16, DW), jnp.float32)
    ones = jnp.ones((CH, DW), jnp.float32)

    assert e % 8 == 0
    parts, degs = _sc_aggregate(
        x, ei.reshape(2 * e), pad_row, pad_col, z128, z16, ones,
        kpw, tot_real, e)
    return _tc_finish(
        x, parts, degs, W,
        b.reshape(1, d_out), gamma.reshape(1, d_out), beta.reshape(1, d_out))

# --- scband reference (transcript-rebuilt; emitter-appended) ---
"""Pipeline reference for scband-astro-gcnlayer-22342419874159 (READ-ONLY COPY).

The authoritative reference and input builder live on the scoring server;
editing this copy changes nothing except your own understanding.
"""

import jax, jax.numpy as jnp
import numpy as np

N = 10000
E = 320000
D_IN = 128
D_OUT = 128


def setup_inputs(seed: int = 0) -> dict:
    key = jax.random.key(seed)
    k1, k2, k3, k4 = jax.random.split(key, 4)
    x = jax.random.normal(k1, (N, D_IN), dtype=jnp.float32)
    edge_index = jax.random.randint(k2, (2, E), 0, N, dtype=jnp.int64)
    # Linear transform params (torch nn.Linear: y = x @ W.T + b)
    bound = 1.0 / np.sqrt(D_IN)
    W = jax.random.uniform(k3, (D_OUT, D_IN), dtype=jnp.float32, minval=-bound, maxval=bound)
    b = jax.random.uniform(k4, (D_OUT,), dtype=jnp.float32, minval=-bound, maxval=bound)
    # LayerNorm params
    gamma = jnp.ones((D_OUT,), dtype=jnp.float32)
    beta = jnp.zeros((D_OUT,), dtype=jnp.float32)
    return {"x": x, "edge_index": edge_index, "W": W, "b": b, "gamma": gamma, "beta": beta}


def reference(x, edge_index, W, b, gamma, beta):
    row = edge_index[0]
    col = edge_index[1]
    # messages = Linear(x[col]) ; single edge type, edge_transforms[0] == self.transform
    messages = x[col] @ W.T + b
    # out.index_add_(0, row, messages)
    out = jnp.zeros((x.shape[0], W.shape[0]), dtype=x.dtype).at[row].add(messages)
    # self loops: out = out + transform(x)
    out = out + (x @ W.T + b)
    # LayerNorm over last dim (norm applied on out.unsqueeze(0) then squeezed; identical math)
    mean = jnp.mean(out, axis=-1, keepdims=True)
    var = jnp.var(out, axis=-1, keepdims=True)
    out = (out - mean) / jnp.sqrt(var + 1e-5) * gamma + beta
    # ReLU activation; dropout p=0.0 is identity
    out = jax.nn.relu(out)
    return out

if __name__ == "__main__":
    import jax
    _d = setup_inputs()
    print(jax.jit(kernel)(*tuple(_d.values())))

</pallas_src>

<mosaic_0001>
#map = affine_map<(d0, d1) -> (0, 0)>
#map1 = affine_map<(d0, d1) -> (0)>
#map2 = affine_map<(d0, d1) -> (0, 0, 0)>
module attributes {stable_mosaic.version = 14 : i64} {
  func.func @k(%arg0: i32, %arg1: i32, %arg2: memref<10000x128xf32, #tpu.memory_space<hbm>>, %arg3: memref<640000xi32, #tpu.memory_space<hbm>>, %arg4: memref<7680xi32, #tpu.memory_space<hbm>>, %arg5: memref<7680xi32, #tpu.memory_space<hbm>>, %arg6: memref<128x128xf32, #tpu.memory_space<hbm>>, %arg7: memref<640x16xf32, #tpu.memory_space<hbm>>, %arg8: memref<128x16xf32, #tpu.memory_space<hbm>>, %arg9: memref<2x10240x128xf32, #tpu.memory_space<hbm>>, %arg10: memref<2x10240x16xf32, #tpu.memory_space<hbm>>, %arg11: memref<128xi32, #tpu.memory_space<vmem>>, %arg12: memref<128xi32, #tpu.memory_space<vmem>>, %arg13: memref<128xi32, #tpu.memory_space<vmem>>, %arg14: memref<128xi32, #tpu.memory_space<vmem>>, %arg15: memref<128xi32, #tpu.memory_space<vmem>>, %arg16: memref<128xi32, #tpu.memory_space<vmem>>, %arg17: memref<128xi32, #tpu.memory_space<vmem>>, %arg18: memref<128xi32, #tpu.memory_space<vmem>>, %arg19: memref<128x128xf32, #tpu.memory_space<vmem>>, %arg20: memref<128x128xf32, #tpu.memory_space<vmem>>, %arg21: memref<128x16xf32, #tpu.memory_space<vmem>>, %arg22: memref<10240x128xf32, #tpu.memory_space<vmem_shared>>, %arg23: memref<10240x16xf32, #tpu.memory_space<vmem_shared>>, %arg24: memref<!tpu.dma_semaphore, #tpu.memory_space<semaphore_mem>>, %arg25: memref<!tpu.dma_semaphore, #tpu.memory_space<semaphore_mem>>, %arg26: memref<!tpu.dma_semaphore, #tpu.memory_space<semaphore_mem>>, %arg27: memref<!tpu.dma_semaphore, #tpu.memory_space<semaphore_mem>>, %arg28: memref<!tpu.dma_semaphore, #tpu.memory_space<semaphore_mem>>, %arg29: memref<!tpu.dma_semaphore, #tpu.memory_space<semaphore_mem>>, %arg30: memref<!tpu.dma_semaphore, #tpu.memory_space<semaphore_mem>>, %arg31: memref<!tpu.dma_semaphore, #tpu.memory_space<semaphore_mem>>, %arg32: memref<!tpu.dma_semaphore, #tpu.memory_space<semaphore_mem>>, %arg33: memref<!tpu.dma_semaphore, #tpu.memory_space<semaphore_mem>>) attributes {dimension_semantics = [#tpu.dimension_semantics<core_parallel>, #tpu.dimension_semantics<subcore_parallel>], iteration_bounds = array<i64: 2, 16>, scalar_prefetch = 0 : i64, scratch_operands = 23 : i64, tpu.core_type = #tpu.core_type<sc_vector_subcore>, window_params = [{transform_indices = #map}, {transform_indices = #map1}, {transform_indices = #map1}, {transform_indices = #map1}, {transform_indices = #map}, {transform_indices = #map}, {transform_indices = #map}, {transform_indices = #map2}, {transform_indices = #map2}]} {
    %mul3A = arith.constant 16 : i32
    %mul3A_0 = arith.muli %arg0, %mul3A : i32
    %add3A = arith.addi %mul3A_0, %arg1 : i32
    %mul3A_1 = arith.constant 640 : i32
    %mul3A_2 = arith.muli %arg1, %mul3A_1 : i32
    %add3A_3 = arith.constant 0 : i32
    %add3A_4 = arith.addi %mul3A_2, %add3A_3 : i32
    "tpu.region"() ({
      %run_scoped3A = tpu.sem_alloc : memref<!tpu.dma_semaphore, #tpu.memory_space<semaphore_mem>>
      %dma_start3A_78 = arith.constant 0 : i32
      %dma_start3A_79 = tpu.memref_slice %arg22[%add3A_4, %dma_start3A_78] : memref<10240x128xf32, #tpu.memory_space<vmem_shared>> -> memref<128x128xf32, #tpu.memory_space<vmem_shared>>
      tpu.enqueue_dma source(%arg6 : memref<128x128xf32, #tpu.memory_space<hbm>>) target(%dma_start3A_79 : memref<128x128xf32, #tpu.memory_space<vmem_shared>>) target_semaphore(%run_scoped3A : memref<!tpu.dma_semaphore, #tpu.memory_space<semaphore_mem>>)
      %dma_wait3A_80 = arith.constant 0 : i32
      %dma_wait3A_81 = tpu.memref_slice %arg22[%add3A_4, %dma_wait3A_80] : memref<10240x128xf32, #tpu.memory_space<vmem_shared>> -> memref<128x128xf32, #tpu.memory_space<vmem_shared>>
      tpu.wait_dma2 semaphore(%run_scoped3A : memref<!tpu.dma_semaphore, #tpu.memory_space<semaphore_mem>>) src(%arg6 : memref<128x128xf32, #tpu.memory_space<hbm>>) dst(%dma_wait3A_81 : memref<128x128xf32, #tpu.memory_space<vmem_shared>>)
      tpu.yield
    }) : () -> ()
    %mul3A_5 = arith.constant 640 : i32
    %mul3A_6 = arith.muli %arg1, %mul3A_5 : i32
    %add3A_7 = arith.constant 128 : i32
    %add3A_8 = arith.addi %mul3A_6, %add3A_7 : i32
    "tpu.region"() ({
      %run_scoped3A = tpu.sem_alloc : memref<!tpu.dma_semaphore, #tpu.memory_space<semaphore_mem>>
      %dma_start3A_78 = arith.constant 0 : i32
      %dma_start3A_79 = tpu.memref_slice %arg22[%add3A_8, %dma_start3A_78] : memref<10240x128xf32, #tpu.memory_space<vmem_shared>> -> memref<128x128xf32, #tpu.memory_space<vmem_shared>>
      tpu.enqueue_dma source(%arg6 : memref<128x128xf32, #tpu.memory_space<hbm>>) target(%dma_start3A_79 : memref<128x128xf32, #tpu.memory_space<vmem_shared>>) target_semaphore(%run_scoped3A : memref<!tpu.dma_semaphore, #tpu.memory_space<semaphore_mem>>)
      %dma_wait3A_80 = arith.constant 0 : i32
      %dma_wait3A_81 = tpu.memref_slice %arg22[%add3A_8, %dma_wait3A_80] : memref<10240x128xf32, #tpu.memory_space<vmem_shared>> -> memref<128x128xf32, #tpu.memory_space<vmem_shared>>
      tpu.wait_dma2 semaphore(%run_scoped3A : memref<!tpu.dma_semaphore, #tpu.memory_space<semaphore_mem>>) src(%arg6 : memref<128x128xf32, #tpu.memory_space<hbm>>) dst(%dma_wait3A_81 : memref<128x128xf32, #tpu.memory_space<vmem_shared>>)
      tpu.yield
    }) : () -> ()
    %mul3A_9 = arith.constant 640 : i32
    %mul3A_10 = arith.muli %arg1, %mul3A_9 : i32
    %add3A_11 = arith.constant 256 : i32
    %add3A_12 = arith.addi %mul3A_10, %add3A_11 : i32
    "tpu.region"() ({
      %run_scoped3A = tpu.sem_alloc : memref<!tpu.dma_semaphore, #tpu.memory_space<semaphore_mem>>
      %dma_start3A_78 = arith.constant 0 : i32
      %dma_start3A_79 = tpu.memref_slice %arg22[%add3A_12, %dma_start3A_78] : memref<10240x128xf32, #tpu.memory_space<vmem_shared>> -> memref<128x128xf32, #tpu.memory_space<vmem_shared>>
      tpu.enqueue_dma source(%arg6 : memref<128x128xf32, #tpu.memory_space<hbm>>) target(%dma_start3A_79 : memref<128x128xf32, #tpu.memory_space<vmem_shared>>) target_semaphore(%run_scoped3A : memref<!tpu.dma_semaphore, #tpu.memory_space<semaphore_mem>>)
      %dma_wait3A_80 = arith.constant 0 : i32
      %dma_wait3A_81 = tpu.memref_slice %arg22[%add3A_12, %dma_wait3A_80] : memref<10240x128xf32, #tpu.memory_space<vmem_shared>> -> memref<128x128xf32, #tpu.memory_space<vmem_shared>>
      tpu.wait_dma2 semaphore(%run_scoped3A : memref<!tpu.dma_semaphore, #tpu.memory_space<semaphore_mem>>) src(%arg6 : memref<128x128xf32, #tpu.memory_space<hbm>>) dst(%dma_wait3A_81 : memref<128x128xf32, #tpu.memory_space<vmem_shared>>)
      tpu.yield
    }) : () -> ()
    %mul3A_13 = arith.constant 640 : i32
    %mul3A_14 = arith.muli %arg1, %mul3A_13 : i32
    %add3A_15 = arith.constant 384 : i32
    %add3A_16 = arith.addi %mul3A_14, %add3A_15 : i32
    "tpu.region"() ({
      %run_scoped3A = tpu.sem_alloc : memref<!tpu.dma_semaphore, #tpu.memory_space<semaphore_mem>>
      %dma_start3A_78 = arith.constant 0 : i32
      %dma_start3A_79 = tpu.memref_slice %arg22[%add3A_16, %dma_start3A_78] : memref<10240x128xf32, #tpu.memory_space<vmem_shared>> -> memref<128x128xf32, #tpu.memory_space<vmem_shared>>
      tpu.enqueue_dma source(%arg6 : memref<128x128xf32, #tpu.memory_space<hbm>>) target(%dma_start3A_79 : memref<128x128xf32, #tpu.memory_space<vmem_shared>>) target_semaphore(%run_scoped3A : memref<!tpu.dma_semaphore, #tpu.memory_space<semaphore_mem>>)
      %dma_wait3A_80 = arith.constant 0 : i32
      %dma_wait3A_81 = tpu.memref_slice %arg22[%add3A_16, %dma_wait3A_80] : memref<10240x128xf32, #tpu.memory_space<vmem_shared>> -> memref<128x128xf32, #tpu.memory_space<vmem_shared>>
      tpu.wait_dma2 semaphore(%run_scoped3A : memref<!tpu.dma_semaphore, #tpu.memory_space<semaphore_mem>>) src(%arg6 : memref<128x128xf32, #tpu.memory_space<hbm>>) dst(%dma_wait3A_81 : memref<128x128xf32, #tpu.memory_space<vmem_shared>>)
      tpu.yield
    }) : () -> ()
    %mul3A_17 = arith.constant 640 : i32
    %mul3A_18 = arith.muli %arg1, %mul3A_17 : i32
    %add3A_19 = arith.constant 512 : i32
    %add3A_20 = arith.addi %mul3A_18, %add3A_19 : i32
    "tpu.region"() ({
      %run_scoped3A = tpu.sem_alloc : memref<!tpu.dma_semaphore, #tpu.memory_space<semaphore_mem>>
      %dma_start3A_78 = arith.constant 0 : i32
      %dma_start3A_79 = tpu.memref_slice %arg22[%add3A_20, %dma_start3A_78] : memref<10240x128xf32, #tpu.memory_space<vmem_shared>> -> memref<128x128xf32, #tpu.memory_space<vmem_shared>>
      tpu.enqueue_dma source(%arg6 : memref<128x128xf32, #tpu.memory_space<hbm>>) target(%dma_start3A_79 : memref<128x128xf32, #tpu.memory_space<vmem_shared>>) target_semaphore(%run_scoped3A : memref<!tpu.dma_semaphore, #tpu.memory_space<semaphore_mem>>)
      %dma_wait3A_80 = arith.constant 0 : i32
      %dma_wait3A_81 = tpu.memref_slice %arg22[%add3A_20, %dma_wait3A_80] : memref<10240x128xf32, #tpu.memory_space<vmem_shared>> -> memref<128x128xf32, #tpu.memory_space<vmem_shared>>
      tpu.wait_dma2 semaphore(%run_scoped3A : memref<!tpu.dma_semaphore, #tpu.memory_space<semaphore_mem>>) src(%arg6 : memref<128x128xf32, #tpu.memory_space<hbm>>) dst(%dma_wait3A_81 : memref<128x128xf32, #tpu.memory_space<vmem_shared>>)
      tpu.yield
    }) : () -> ()
    %mul3A_21 = arith.constant 640 : i32
    %mul3A_22 = arith.muli %arg1, %mul3A_21 : i32
    "tpu.region"() ({
      %run_scoped3A = tpu.sem_alloc : memref<!tpu.dma_semaphore, #tpu.memory_space<semaphore_mem>>
      %dma_start3A_78 = arith.constant 0 : i32
      %dma_start3A_79 = tpu.memref_slice %arg23[%mul3A_22, %dma_start3A_78] : memref<10240x16xf32, #tpu.memory_space<vmem_shared>> -> memref<640x16xf32, #tpu.memory_space<vmem_shared>>
      tpu.enqueue_dma source(%arg7 : memref<640x16xf32, #tpu.memory_space<hbm>>) target(%dma_start3A_79 : memref<640x16xf32, #tpu.memory_space<vmem_shared>>) target_semaphore(%run_scoped3A : memref<!tpu.dma_semaphore, #tpu.memory_space<semaphore_mem>>)
      %dma_wait3A_80 = arith.constant 0 : i32
      %dma_wait3A_81 = tpu.memref_slice %arg23[%mul3A_22, %dma_wait3A_80] : memref<10240x16xf32, #tpu.memory_space<vmem_shared>> -> memref<640x16xf32, #tpu.memory_space<vmem_shared>>
      tpu.wait_dma2 semaphore(%run_scoped3A : memref<!tpu.dma_semaphore, #tpu.memory_space<semaphore_mem>>) src(%arg7 : memref<640x16xf32, #tpu.memory_space<hbm>>) dst(%dma_wait3A_81 : memref<640x16xf32, #tpu.memory_space<vmem_shared>>)
      tpu.yield
    }) : () -> ()
    "tpu.region"() ({
      %run_scoped3A = tpu.sem_alloc : memref<!tpu.dma_semaphore, #tpu.memory_space<semaphore_mem>>
      tpu.enqueue_dma source(%arg8 : memref<128x16xf32, #tpu.memory_space<hbm>>) target(%arg21 : memref<128x16xf32, #tpu.memory_space<vmem>>) target_semaphore(%run_scoped3A : memref<!tpu.dma_semaphore, #tpu.memory_space<semaphore_mem>>)
      tpu.wait_dma2 semaphore(%run_scoped3A : memref<!tpu.dma_semaphore, #tpu.memory_space<semaphore_mem>>) src(%arg8 : memref<128x16xf32, #tpu.memory_space<hbm>>) dst(%arg21 : memref<128x16xf32, #tpu.memory_space<vmem>>)
      tpu.yield
    }) : () -> ()
    %barrier3A = arith.constant 0 : index
    tpu.barrier barrier_id(%barrier3A)
    %add3A_23 = arith.constant 0 : i32
    %add3A_24 = arith.addi %add3A, %add3A_23 : i32
    %lt3A = arith.constant 2500 : i32
    %lt3A_25 = arith.cmpi slt, %add3A_24, %lt3A : i32
    %convert_element_type3A = arith.extui %lt3A_25 : i1 to i32
    %cond3A = arith.constant 0 : i32
    %cond3A_26 = arith.cmpi ne, %convert_element_type3A, %cond3A : i32
    scf.if %cond3A_26 {
      %mul3A_78 = arith.constant 128 : i32
      %mul3A_79 = arith.muli %add3A_24, %mul3A_78 : i32
      %add3A_80 = arith.constant 320000 : i32
      %add3A_81 = arith.addi %add3A_80, %mul3A_79 : i32
      %dma_start3A_82 = tpu.memref_slice %arg3[%add3A_81] : memref<640000xi32, #tpu.memory_space<hbm>> -> memref<128xi32, #tpu.memory_space<hbm>>
      %dma_start3A_83 = tpu.memref_slice %arg3[%add3A_81] : memref<640000xi32, #tpu.memory_space<hbm>> -> memref<128xi32, #tpu.memory_space<hbm>>
      tpu.enqueue_dma source(%dma_start3A_83 : memref<128xi32, #tpu.memory_space<hbm>>) target(%arg11 : memref<128xi32, #tpu.memory_space<vmem>>) target_semaphore(%arg24 : memref<!tpu.dma_semaphore, #tpu.memory_space<semaphore_mem>>)
      %dma_start3A_84 = tpu.memref_slice %arg3[%mul3A_79] : memref<640000xi32, #tpu.memory_space<hbm>> -> memref<128xi32, #tpu.memory_space<hbm>>
      %dma_start3A_85 = tpu.memref_slice %arg3[%mul3A_79] : memref<640000xi32, #tpu.memory_space<hbm>> -> memref<128xi32, #tpu.memory_space<hbm>>
      tpu.enqueue_dma source(%dma_start3A_85 : memref<128xi32, #tpu.memory_space<hbm>>) target(%arg15 : memref<128xi32, #tpu.memory_space<vmem>>) target_semaphore(%arg24 : memref<!tpu.dma_semaphore, #tpu.memory_space<semaphore_mem>>)
    } else {
    }
    %ge3A = arith.constant 2500 : i32
    %ge3A_27 = arith.cmpi sge, %add3A_24, %ge3A : i32
    %convert_element_type3A_28 = arith.extui %ge3A_27 : i1 to i32
    %cond3A_29 = arith.constant 0 : i32
    %cond3A_30 = arith.cmpi ne, %convert_element_type3A_28, %cond3A_29 : i32
    scf.if %cond3A_30 {
      %sub3A = arith.constant 2500 : i32
      %sub3A_78 = arith.subi %add3A_24, %sub3A : i32
      %mul3A_79 = arith.constant 128 : i32
      %mul3A_80 = arith.muli %sub3A_78, %mul3A_79 : i32
      %dma_start3A_81 = tpu.memref_slice %arg5[%mul3A_80] : memref<7680xi32, #tpu.memory_space<hbm>> -> memref<128xi32, #tpu.memory_space<hbm>>
      %dma_start3A_82 = tpu.memref_slice %arg5[%mul3A_80] : memref<7680xi32, #tpu.memory_space<hbm>> -> memref<128xi32, #tpu.memory_space<hbm>>
      tpu.enqueue_dma source(%dma_start3A_82 : memref<128xi32, #tpu.memory_space<hbm>>) target(%arg11 : memref<128xi32, #tpu.memory_space<vmem>>) target_semaphore(%arg24 : memref<!tpu.dma_semaphore, #tpu.memory_space<semaphore_mem>>)
      %dma_start3A_83 = tpu.memref_slice %arg4[%mul3A_80] : memref<7680xi32, #tpu.memory_space<hbm>> -> memref<128xi32, #tpu.memory_space<hbm>>
      %dma_start3A_84 = tpu.memref_slice %arg4[%mul3A_80] : memref<7680xi32, #tpu.memory_space<hbm>> -> memref<128xi32, #tpu.memory_space<hbm>>
      tpu.enqueue_dma source(%dma_start3A_84 : memref<128xi32, #tpu.memory_space<hbm>>) target(%arg15 : memref<128xi32, #tpu.memory_space<vmem>>) target_semaphore(%arg24 : memref<!tpu.dma_semaphore, #tpu.memory_space<semaphore_mem>>)
    } else {
    }
    %add3A_31 = arith.constant 32 : i32
    %add3A_32 = arith.addi %add3A, %add3A_31 : i32
    %lt3A_33 = arith.constant 2500 : i32
    %lt3A_34 = arith.cmpi slt, %add3A_32, %lt3A_33 : i32
    %convert_element_type3A_35 = arith.extui %lt3A_34 : i1 to i32
    %cond3A_36 = arith.constant 0 : i32
    %cond3A_37 = arith.cmpi ne, %convert_element_type3A_35, %cond3A_36 : i32
    scf.if %cond3A_37 {
      %mul3A_78 = arith.constant 128 : i32
      %mul3A_79 = arith.muli %add3A_32, %mul3A_78 : i32
      %add3A_80 = arith.constant 320000 : i32
      %add3A_81 = arith.addi %add3A_80, %mul3A_79 : i32
      %dma_start3A_82 = tpu.memref_slice %arg3[%add3A_81] : memref<640000xi32, #tpu.memory_space<hbm>> -> memref<128xi32, #tpu.memory_space<hbm>>
      %dma_start3A_83 = tpu.memref_slice %arg3[%add3A_81] : memref<640000xi32, #tpu.memory_space<hbm>> -> memref<128xi32, #tpu.memory_space<hbm>>
      tpu.enqueue_dma source(%dma_start3A_83 : memref<128xi32, #tpu.memory_space<hbm>>) target(%arg12 : memref<128xi32, #tpu.memory_space<vmem>>) target_semaphore(%arg25 : memref<!tpu.dma_semaphore, #tpu.memory_space<semaphore_mem>>)
      %dma_start3A_84 = tpu.memref_slice %arg3[%mul3A_79] : memref<640000xi32, #tpu.memory_space<hbm>> -> memref<128xi32, #tpu.memory_space<hbm>>
      %dma_start3A_85 = tpu.memref_slice %arg3[%mul3A_79] : memref<640000xi32, #tpu.memory_space<hbm>> -> memref<128xi32, #tpu.memory_space<hbm>>
      tpu.enqueue_dma source(%dma_start3A_85 : memref<128xi32, #tpu.memory_space<hbm>>) target(%arg16 : memref<128xi32, #tpu.memory_space<vmem>>) target_semaphore(%arg25 : memref<!tpu.dma_semaphore, #tpu.memory_space<semaphore_mem>>)
    } else {
    }
    %ge3A_38 = arith.constant 2500 : i32
    %ge3A_39 = arith.cmpi sge, %add3A_32, %ge3A_38 : i32
    %convert_element_type3A_40 = arith.extui %ge3A_39 : i1 to i32
    %cond3A_41 = arith.constant 0 : i32
    %cond3A_42 = arith.cmpi ne, %convert_element_type3A_40, %cond3A_41 : i32
    scf.if %cond3A_42 {
      %sub3A = arith.constant 2500 : i32
      %sub3A_78 = arith.subi %add3A_32, %sub3A : i32
      %mul3A_79 = arith.constant 128 : i32
      %mul3A_80 = arith.muli %sub3A_78, %mul3A_79 : i32
      %dma_start3A_81 = tpu.memref_slice %arg5[%mul3A_80] : memref<7680xi32, #tpu.memory_space<hbm>> -> memref<128xi32, #tpu.memory_space<hbm>>
      %dma_start3A_82 = tpu.memref_slice %arg5[%mul3A_80] : memref<7680xi32, #tpu.memory_space<hbm>> -> memref<128xi32, #tpu.memory_space<hbm>>
      tpu.enqueue_dma source(%dma_start3A_82 : memref<128xi32, #tpu.memory_space<hbm>>) target(%arg12 : memref<128xi32, #tpu.memory_space<vmem>>) target_semaphore(%arg25 : memref<!tpu.dma_semaphore, #tpu.memory_space<semaphore_mem>>)
      %dma_start3A_83 = tpu.memref_slice %arg4[%mul3A_80] : memref<7680xi32, #tpu.memory_space<hbm>> -> memref<128xi32, #tpu.memory_space<hbm>>
      %dma_start3A_84 = tpu.memref_slice %arg4[%mul3A_80] : memref<7680xi32, #tpu.memory_space<hbm>> -> memref<128xi32, #tpu.memory_space<hbm>>
      tpu.enqueue_dma source(%dma_start3A_84 : memref<128xi32, #tpu.memory_space<hbm>>) target(%arg16 : memref<128xi32, #tpu.memory_space<vmem>>) target_semaphore(%arg25 : memref<!tpu.dma_semaphore, #tpu.memory_space<semaphore_mem>>)
    } else {
    }
    %dma_wait3A = arith.constant 0 : i32
    %dma_wait3A_43 = tpu.memref_slice %arg3[%dma_wait3A] : memref<640000xi32, #tpu.memory_space<hbm>> -> memref<128xi32, #tpu.memory_space<hbm>>
    %dma_wait3A_44 = arith.constant 0 : i32
    %dma_wait3A_45 = tpu.memref_slice %arg3[%dma_wait3A_44] : memref<640000xi32, #tpu.memory_space<hbm>> -> memref<128xi32, #tpu.memory_space<hbm>>
    tpu.wait_dma2 semaphore(%arg24 : memref<!tpu.dma_semaphore, #tpu.memory_space<semaphore_mem>>) src(%dma_wait3A_45 : memref<128xi32, #tpu.memory_space<hbm>>) dst(%arg11 : memref<128xi32, #tpu.memory_space<vmem>>)
    %dma_wait3A_46 = arith.constant 0 : i32
    %dma_wait3A_47 = tpu.memref_slice %arg3[%dma_wait3A_46] : memref<640000xi32, #tpu.memory_space<hbm>> -> memref<128xi32, #tpu.memory_space<hbm>>
    %dma_wait3A_48 = arith.constant 0 : i32
    %dma_wait3A_49 = tpu.memref_slice %arg3[%dma_wait3A_48] : memref<640000xi32, #tpu.memory_space<hbm>> -> memref<128xi32, #tpu.memory_space<hbm>>
    tpu.wait_dma2 semaphore(%arg24 : memref<!tpu.dma_semaphore, #tpu.memory_space<semaphore_mem>>) src(%dma_wait3A_49 : memref<128xi32, #tpu.memory_space<hbm>>) dst(%arg15 : memref<128xi32, #tpu.memory_space<vmem>>)
    %dma_start3A = arith.constant 0 : i32
    %dma_start3A_50 = arith.constant 0 : i32
    %dma_start3A_51 = tpu.memref_slice %arg2[%dma_start3A, %dma_start3A_50] : memref<10000x128xf32, #tpu.memory_space<hbm>> -> memref<10000x128xf32, #tpu.memory_space<hbm>>
    tpu.enqueue_indirect_dma source(%dma_start3A_51 : memref<10000x128xf32, #tpu.memory_space<hbm>>) target(%arg19 : memref<128x128xf32, #tpu.memory_space<vmem>>) offsets(%arg11 : memref<128xi32, #tpu.memory_space<vmem>>) semaphore(%arg28 : memref<!tpu.dma_semaphore, #tpu.memory_space<semaphore_mem>>)
    %scan3A = arith.constant 0 : i32
    %scan3A_52 = arith.constant 0 : i32
    %scan3A_53 = arith.constant 20 : i32
    %scan3A_54 = arith.addi %scan3A_52, %scan3A_53 : i32
    %scan3A_55 = arith.constant 1 : i32
    scf.for %scan3A_78 = %scan3A_52 to %scan3A_54 step %scan3A_55  : i32 {
      %mul3A_79 = arith.constant 4 : i32
      %mul3A_80 = arith.muli %mul3A_79, %scan3A_78 : i32
      %add3A_81 = arith.constant 0 : i32
      %add3A_82 = arith.addi %mul3A_80, %add3A_81 : i32
      %add3A_83 = arith.constant 1 : i32
      %add3A_84 = arith.addi %add3A_82, %add3A_83 : i32
      %lt3A_85 = arith.constant 80 : i32
      %lt3A_86 = arith.cmpi slt, %add3A_84, %lt3A_85 : i32
      %ge3A_87 = arith.constant 1 : i32
      %ge3A_88 = arith.cmpi sge, %add3A_82, %ge3A_87 : i32
      %and3A = arith.andi %lt3A_86, %ge3A_88 : i1
      %convert_element_type3A_89 = arith.extui %and3A : i1 to i32
      %cond3A_90 = arith.constant 0 : i32
      %cond3A_91 = arith.cmpi ne, %convert_element_type3A_89, %cond3A_90 : i32
      scf.if %cond3A_91 {
        %dma_wait3A_226 = arith.constant 0 : i32
        %dma_wait3A_227 = arith.constant 0 : i32
        %dma_wait3A_228 = tpu.memref_slice %arg22[%dma_wait3A_226, %dma_wait3A_227] : memref<10240x128xf32, #tpu.memory_space<vmem_shared>> -> memref<10240x128xf32, #tpu.memory_space<vmem_shared>>
        tpu.wait_indirect_dma semaphore(%arg31 : memref<!tpu.dma_semaphore, #tpu.memory_space<semaphore_mem>>) src(%arg20 : memref<128x128xf32, #tpu.memory_space<vmem>>) dst(%dma_wait3A_228 : memref<10240x128xf32, #tpu.memory_space<vmem_shared>>)
        %dma_wait3A_229 = arith.constant 0 : i32
        %dma_wait3A_230 = arith.constant 0 : i32
        %dma_wait3A_231 = tpu.memref_slice %arg23[%dma_wait3A_229, %dma_wait3A_230] : memref<10240x16xf32, #tpu.memory_space<vmem_shared>> -> memref<10240x16xf32, #tpu.memory_space<vmem_shared>>
        tpu.wait_indirect_dma semaphore(%arg33 : memref<!tpu.dma_semaphore, #tpu.memory_space<semaphore_mem>>) src(%arg21 : memref<128x16xf32, #tpu.memory_space<vmem>>) dst(%dma_wait3A_231 : memref<10240x16xf32, #tpu.memory_space<vmem_shared>>)
      } else {
      }
      %add3A_92 = arith.constant 1 : i32
      %add3A_93 = arith.addi %add3A_82, %add3A_92 : i32
      %lt3A_94 = arith.constant 80 : i32
      %lt3A_95 = arith.cmpi slt, %add3A_93, %lt3A_94 : i32
      %convert_element_type3A_96 = arith.extui %lt3A_95 : i1 to i32
      %cond3A_97 = arith.constant 0 : i32
      %cond3A_98 = arith.cmpi ne, %convert_element_type3A_96, %cond3A_97 : i32
      scf.if %cond3A_98 {
        %dma_wait3A_226 = arith.constant 0 : i32
        %dma_wait3A_227 = tpu.memref_slice %arg3[%dma_wait3A_226] : memref<640000xi32, #tpu.memory_space<hbm>> -> memref<128xi32, #tpu.memory_space<hbm>>
        %dma_wait3A_228 = arith.constant 0 : i32
        %dma_wait3A_229 = tpu.memref_slice %arg3[%dma_wait3A_228] : memref<640000xi32, #tpu.memory_space<hbm>> -> memref<128xi32, #tpu.memory_space<hbm>>
        tpu.wait_dma2 semaphore(%arg25 : memref<!tpu.dma_semaphore, #tpu.memory_space<semaphore_mem>>) src(%dma_wait3A_229 : memref<128xi32, #tpu.memory_space<hbm>>) dst(%arg12 : memref<128xi32, #tpu.memory_space<vmem>>)
        %dma_wait3A_230 = arith.constant 0 : i32
        %dma_wait3A_231 = tpu.memref_slice %arg3[%dma_wait3A_230] : memref<640000xi32, #tpu.memory_space<hbm>> -> memref<128xi32, #tpu.memory_space<hbm>>
        %dma_wait3A_232 = arith.constant 0 : i32
        %dma_wait3A_233 = tpu.memref_slice %arg3[%dma_wait3A_232] : memref<640000xi32, #tpu.memory_space<hbm>> -> memref<128xi32, #tpu.memory_space<hbm>>
        tpu.wait_dma2 semaphore(%arg25 : memref<!tpu.dma_semaphore, #tpu.memory_space<semaphore_mem>>) src(%dma_wait3A_233 : memref<128xi32, #tpu.memory_space<hbm>>) dst(%arg16 : memref<128xi32, #tpu.memory_space<vmem>>)
        %dma_start3A_234 = arith.constant 0 : i32
        %dma_start3A_235 = arith.constant 0 : i32
        %dma_start3A_236 = tpu.memref_slice %arg2[%dma_start3A_234, %dma_start3A_235] : memref<10000x128xf32, #tpu.memory_space<hbm>> -> memref<10000x128xf32, #tpu.memory_space<hbm>>
        tpu.enqueue_indirect_dma source(%dma_start3A_236 : memref<10000x128xf32, #tpu.memory_space<hbm>>) target(%arg20 : memref<128x128xf32, #tpu.memory_space<vmem>>) offsets(%arg12 : memref<128xi32, #tpu.memory_space<vmem>>) semaphore(%arg29 : memref<!tpu.dma_semaphore, #tpu.memory_space<semaphore_mem>>)
      } else {
      }
      %dma_wait3A_99 = arith.constant 0 : i32
      %dma_wait3A_100 = arith.constant 0 : i32
      %dma_wait3A_101 = tpu.memref_slice %arg2[%dma_wait3A_99, %dma_wait3A_100] : memref<10000x128xf32, #tpu.memory_space<hbm>> -> memref<10000x128xf32, #tpu.memory_space<hbm>>
      tpu.wait_indirect_dma semaphore(%arg28 : memref<!tpu.dma_semaphore, #tpu.memory_space<semaphore_mem>>) src(%dma_wait3A_101 : memref<10000x128xf32, #tpu.memory_space<hbm>>) dst(%arg19 : memref<128x128xf32, #tpu.memory_space<vmem>>)
      %dma_start3A_102 = arith.constant 0 : i32
      %dma_start3A_103 = arith.constant 0 : i32
      %dma_start3A_104 = tpu.memref_slice %arg22[%dma_start3A_102, %dma_start3A_103] : memref<10240x128xf32, #tpu.memory_space<vmem_shared>> -> memref<10240x128xf32, #tpu.memory_space<vmem_shared>>
      tpu.enqueue_indirect_dma source(%arg19 : memref<128x128xf32, #tpu.memory_space<vmem>>) target(%dma_start3A_104 : memref<10240x128xf32, #tpu.memory_space<vmem_shared>>) offsets(%arg15 : memref<128xi32, #tpu.memory_space<vmem>>) semaphore(%arg30 : memref<!tpu.dma_semaphore, #tpu.memory_space<semaphore_mem>>) {add = true}
      %dma_start3A_105 = arith.constant 0 : i32
      %dma_start3A_106 = arith.constant 0 : i32
      %dma_start3A_107 = tpu.memref_slice %arg23[%dma_start3A_105, %dma_start3A_106] : memref<10240x16xf32, #tpu.memory_space<vmem_shared>> -> memref<10240x16xf32, #tpu.memory_space<vmem_shared>>
      tpu.enqueue_indirect_dma source(%arg21 : memref<128x16xf32, #tpu.memory_space<vmem>>) target(%dma_start3A_107 : memref<10240x16xf32, #tpu.memory_space<vmem_shared>>) offsets(%arg15 : memref<128xi32, #tpu.memory_space<vmem>>) semaphore(%arg32 : memref<!tpu.dma_semaphore, #tpu.memory_space<semaphore_mem>>) {add = true}
      %add3A_108 = arith.constant 2 : i32
      %add3A_109 = arith.addi %add3A_82, %add3A_108 : i32
      %lt3A_110 = arith.constant 80 : i32
      %lt3A_111 = arith.cmpi slt, %add3A_109, %lt3A_110 : i32
      %convert_element_type3A_112 = arith.extui %lt3A_111 : i1 to i32
      %cond3A_113 = arith.constant 0 : i32
      %cond3A_114 = arith.cmpi ne, %convert_element_type3A_112, %cond3A_113 : i32
      scf.if %cond3A_114 {
        %add3A_226 = arith.constant 2 : i32
        %add3A_227 = arith.addi %add3A_82, %add3A_226 : i32
        %mul3A_228 = arith.constant 32 : i32
        %mul3A_229 = arith.muli %add3A_227, %mul3A_228 : i32
        %add3A_230 = arith.addi %add3A, %mul3A_229 : i32
        %lt3A_231 = arith.constant 2500 : i32
        %lt3A_232 = arith.cmpi slt, %add3A_230, %lt3A_231 : i32
        %convert_element_type3A_233 = arith.extui %lt3A_232 : i1 to i32
        %cond3A_234 = arith.constant 0 : i32
        %cond3A_235 = arith.cmpi ne, %convert_element_type3A_233, %cond3A_234 : i32
        scf.if %cond3A_235 {
          %mul3A_241 = arith.constant 128 : i32
          %mul3A_242 = arith.muli %add3A_230, %mul3A_241 : i32
          %add3A_243 = arith.constant 320000 : i32
          %add3A_244 = arith.addi %add3A_243, %mul3A_242 : i32
          %dma_start3A_245 = tpu.memref_slice %arg3[%add3A_244] : memref<640000xi32, #tpu.memory_space<hbm>> -> memref<128xi32, #tpu.memory_space<hbm>>
          %dma_start3A_246 = tpu.memref_slice %arg3[%add3A_244] : memref<640000xi32, #tpu.memory_space<hbm>> -> memref<128xi32, #tpu.memory_space<hbm>>
          tpu.enqueue_dma source(%dma_start3A_246 : memref<128xi32, #tpu.memory_space<hbm>>) target(%arg13 : memref<128xi32, #tpu.memory_space<vmem>>) target_semaphore(%arg26 : memref<!tpu.dma_semaphore, #tpu.memory_space<semaphore_mem>>)
          %dma_start3A_247 = tpu.memref_slice %arg3[%mul3A_242] : memref<640000xi32, #tpu.memory_space<hbm>> -> memref<128xi32, #tpu.memory_space<hbm>>
          %dma_start3A_248 = tpu.memref_slice %arg3[%mul3A_242] : memref<640000xi32, #tpu.memory_space<hbm>> -> memref<128xi32, #tpu.memory_space<hbm>>
          tpu.enqueue_dma source(%dma_start3A_248 : memref<128xi32, #tpu.memory_space<hbm>>) target(%arg17 : memref<128xi32, #tpu.memory_space<vmem>>) target_semaphore(%arg26 : memref<!tpu.dma_semaphore, #tpu.memory_space<semaphore_mem>>)
        } else {
        }
        %ge3A_236 = arith.constant 2500 : i32
        %ge3A_237 = arith.cmpi sge, %add3A_230, %ge3A_236 : i32
        %convert_element_type3A_238 = arith.extui %ge3A_237 : i1 to i32
        %cond3A_239 = arith.constant 0 : i32
        %cond3A_240 = arith.cmpi ne, %convert_element_type3A_238, %cond3A_239 : i32
        scf.if %cond3A_240 {
          %sub3A = arith.constant 2500 : i32
          %sub3A_241 = arith.subi %add3A_230, %sub3A : i32
          %mul3A_242 = arith.constant 128 : i32
          %mul3A_243 = arith.muli %sub3A_241, %mul3A_242 : i32
          %dma_start3A_244 = tpu.memref_slice %arg5[%mul3A_243] : memref<7680xi32, #tpu.memory_space<hbm>> -> memref<128xi32, #tpu.memory_space<hbm>>
          %dma_start3A_245 = tpu.memref_slice %arg5[%mul3A_243] : memref<7680xi32, #tpu.memory_space<hbm>> -> memref<128xi32, #tpu.memory_space<hbm>>
          tpu.enqueue_dma source(%dma_start3A_245 : memref<128xi32, #tpu.memory_space<hbm>>) target(%arg13 : memref<128xi32, #tpu.memory_space<vmem>>) target_semaphore(%arg26 : memref<!tpu.dma_semaphore, #tpu.memory_space<semaphore_mem>>)
          %dma_start3A_246 = tpu.memref_slice %arg4[%mul3A_243] : memref<7680xi32, #tpu.memory_space<hbm>> -> memref<128xi32, #tpu.memory_space<hbm>>
          %dma_start3A_247 = tpu.memref_slice %arg4[%mul3A_243] : memref<7680xi32, #tpu.memory_space<hbm>> -> memref<128xi32, #tpu.memory_space<hbm>>
          tpu.enqueue_dma source(%dma_start3A_247 : memref<128xi32, #tpu.memory_space<hbm>>) target(%arg17 : memref<128xi32, #tpu.memory_space<vmem>>) target_semaphore(%arg26 : memref<!tpu.dma_semaphore, #tpu.memory_space<semaphore_mem>>)
        } else {
        }
      } else {
      }
      %mul3A_115 = arith.constant 4 : i32
      %mul3A_116 = arith.muli %mul3A_115, %scan3A_78 : i32
      %add3A_117 = arith.constant 1 : i32
      %add3A_118 = arith.addi %mul3A_116, %add3A_117 : i32
      %add3A_119 = arith.constant 1 : i32
      %add3A_120 = arith.addi %add3A_118, %add3A_119 : i32
      %lt3A_121 = arith.constant 80 : i32
      %lt3A_122 = arith.cmpi slt, %add3A_120, %lt3A_121 : i32
      %ge3A_123 = arith.constant 1 : i32
      %ge3A_124 = arith.cmpi sge, %add3A_118, %ge3A_123 : i32
      %and3A_125 = arith.andi %lt3A_122, %ge3A_124 : i1
      %convert_element_type3A_126 = arith.extui %and3A_125 : i1 to i32
      %cond3A_127 = arith.constant 0 : i32
      %cond3A_128 = arith.cmpi ne, %convert_element_type3A_126, %cond3A_127 : i32
      scf.if %cond3A_128 {
        %dma_wait3A_226 = arith.constant 0 : i32
        %dma_wait3A_227 = arith.constant 0 : i32
        %dma_wait3A_228 = tpu.memref_slice %arg22[%dma_wait3A_226, %dma_wait3A_227] : memref<10240x128xf32, #tpu.memory_space<vmem_shared>> -> memref<10240x128xf32, #tpu.memory_space<vmem_shared>>
        tpu.wait_indirect_dma semaphore(%arg30 : memref<!tpu.dma_semaphore, #tpu.memory_space<semaphore_mem>>) src(%arg19 : memref<128x128xf32, #tpu.memory_space<vmem>>) dst(%dma_wait3A_228 : memref<10240x128xf32, #tpu.memory_space<vmem_shared>>)
        %dma_wait3A_229 = arith.constant 0 : i32
        %dma_wait3A_230 = arith.constant 0 : i32
        %dma_wait3A_231 = tpu.memref_slice %arg23[%dma_wait3A_229, %dma_wait3A_230] : memref<10240x16xf32, #tpu.memory_space<vmem_shared>> -> memref<10240x16xf32, #tpu.memory_space<vmem_shared>>
        tpu.wait_indirect_dma semaphore(%arg32 : memref<!tpu.dma_semaphore, #tpu.memory_space<semaphore_mem>>) src(%arg21 : memref<128x16xf32, #tpu.memory_space<vmem>>) dst(%dma_wait3A_231 : memref<10240x16xf32, #tpu.memory_space<vmem_shared>>)
      } else {
      }
      %add3A_129 = arith.constant 1 : i32
      %add3A_130 = arith.addi %add3A_118, %add3A_129 : i32
      %lt3A_131 = arith.constant 80 : i32
      %lt3A_132 = arith.cmpi slt, %add3A_130, %lt3A_131 : i32
      %convert_element_type3A_133 = arith.extui %lt3A_132 : i1 to i32
      %cond3A_134 = arith.constant 0 : i32
      %cond3A_135 = arith.cmpi ne, %convert_element_type3A_133, %cond3A_134 : i32
      scf.if %cond3A_135 {
        %dma_wait3A_226 = arith.constant 0 : i32
        %dma_wait3A_227 = tpu.memref_slice %arg3[%dma_wait3A_226] : memref<640000xi32, #tpu.memory_space<hbm>> -> memref<128xi32, #tpu.memory_space<hbm>>
        %dma_wait3A_228 = arith.constant 0 : i32
        %dma_wait3A_229 = tpu.memref_slice %arg3[%dma_wait3A_228] : memref<640000xi32, #tpu.memory_space<hbm>> -> memref<128xi32, #tpu.memory_space<hbm>>
        tpu.wait_dma2 semaphore(%arg26 : memref<!tpu.dma_semaphore, #tpu.memory_space<semaphore_mem>>) src(%dma_wait3A_229 : memref<128xi32, #tpu.memory_space<hbm>>) dst(%arg13 : memref<128xi32, #tpu.memory_space<vmem>>)
        %dma_wait3A_230 = arith.constant 0 : i32
        %dma_wait3A_231 = tpu.memref_slice %arg3[%dma_wait3A_230] : memref<640000xi32, #tpu.memory_space<hbm>> -> memref<128xi32, #tpu.memory_space<hbm>>
        %dma_wait3A_232 = arith.constant 0 : i32
        %dma_wait3A_233 = tpu.memref_slice %arg3[%dma_wait3A_232] : memref<640000xi32, #tpu.memory_space<hbm>> -> memref<128xi32, #tpu.memory_space<hbm>>
        tpu.wait_dma2 semaphore(%arg26 : memref<!tpu.dma_semaphore, #tpu.memory_space<semaphore_mem>>) src(%dma_wait3A_233 : memref<128xi32, #tpu.memory_space<hbm>>) dst(%arg17 : memref<128xi32, #tpu.memory_space<vmem>>)
        %dma_start3A_234 = arith.constant 0 : i32
        %dma_start3A_235 = arith.constant 0 : i32
        %dma_start3A_236 = tpu.memref_slice %arg2[%dma_start3A_234, %dma_start3A_235] : memref<10000x128xf32, #tpu.memory_space<hbm>> -> memref<10000x128xf32, #tpu.memory_space<hbm>>
        tpu.enqueue_indirect_dma source(%dma_start3A_236 : memref<10000x128xf32, #tpu.memory_space<hbm>>) target(%arg19 : memref<128x128xf32, #tpu.memory_space<vmem>>) offsets(%arg13 : memref<128xi32, #tpu.memory_space<vmem>>) semaphore(%arg28 : memref<!tpu.dma_semaphore, #tpu.memory_space<semaphore_mem>>)
      } else {
      }
      %dma_wait3A_136 = arith.constant 0 : i32
      %dma_wait3A_137 = arith.constant 0 : i32
      %dma_wait3A_138 = tpu.memref_slice %arg2[%dma_wait3A_136, %dma_wait3A_137] : memref<10000x128xf32, #tpu.memory_space<hbm>> -> memref<10000x128xf32, #tpu.memory_space<hbm>>
      tpu.wait_indirect_dma semaphore(%arg29 : memref<!tpu.dma_semaphore, #tpu.memory_space<semaphore_mem>>) src(%dma_wait3A_138 : memref<10000x128xf32, #tpu.memory_space<hbm>>) dst(%arg20 : memref<128x128xf32, #tpu.memory_space<vmem>>)
      %dma_start3A_139 = arith.constant 0 : i32
      %dma_start3A_140 = arith.constant 0 : i32
      %dma_start3A_141 = tpu.memref_slice %arg22[%dma_start3A_139, %dma_start3A_140] : memref<10240x128xf32, #tpu.memory_space<vmem_shared>> -> memref<10240x128xf32, #tpu.memory_space<vmem_shared>>
      tpu.enqueue_indirect_dma source(%arg20 : memref<128x128xf32, #tpu.memory_space<vmem>>) target(%dma_start3A_141 : memref<10240x128xf32, #tpu.memory_space<vmem_shared>>) offsets(%arg16 : memref<128xi32, #tpu.memory_space<vmem>>) semaphore(%arg31 : memref<!tpu.dma_semaphore, #tpu.memory_space<semaphore_mem>>) {add = true}
      %dma_start3A_142 = arith.constant 0 : i32
      %dma_start3A_143 = arith.constant 0 : i32
      %dma_start3A_144 = tpu.memref_slice %arg23[%dma_start3A_142, %dma_start3A_143] : memref<10240x16xf32, #tpu.memory_space<vmem_shared>> -> memref<10240x16xf32, #tpu.memory_space<vmem_shared>>
      tpu.enqueue_indirect_dma source(%arg21 : memref<128x16xf32, #tpu.memory_space<vmem>>) target(%dma_start3A_144 : memref<10240x16xf32, #tpu.memory_space<vmem_shared>>) offsets(%arg16 : memref<128xi32, #tpu.memory_space<vmem>>) semaphore(%arg33 : memref<!tpu.dma_semaphore, #tpu.memory_space<semaphore_mem>>) {add = true}
      %add3A_145 = arith.constant 2 : i32
      %add3A_146 = arith.addi %add3A_118, %add3A_145 : i32
      %lt3A_147 = arith.constant 80 : i32
      %lt3A_148 = arith.cmpi slt, %add3A_146, %lt3A_147 : i32
      %convert_element_type3A_149 = arith.extui %lt3A_148 : i1 to i32
      %cond3A_150 = arith.constant 0 : i32
      %cond3A_151 = arith.cmpi ne, %convert_element_type3A_149, %cond3A_150 : i32
      scf.if %cond3A_151 {
        %add3A_226 = arith.constant 2 : i32
        %add3A_227 = arith.addi %add3A_118, %add3A_226 : i32
        %mul3A_228 = arith.constant 32 : i32
        %mul3A_229 = arith.muli %add3A_227, %mul3A_228 : i32
        %add3A_230 = arith.addi %add3A, %mul3A_229 : i32
        %lt3A_231 = arith.constant 2500 : i32
        %lt3A_232 = arith.cmpi slt, %add3A_230, %lt3A_231 : i32
        %convert_element_type3A_233 = arith.extui %lt3A_232 : i1 to i32
        %cond3A_234 = arith.constant 0 : i32
        %cond3A_235 = arith.cmpi ne, %convert_element_type3A_233, %cond3A_234 : i32
        scf.if %cond3A_235 {
          %mul3A_241 = arith.constant 128 : i32
          %mul3A_242 = arith.muli %add3A_230, %mul3A_241 : i32
          %add3A_243 = arith.constant 320000 : i32
          %add3A_244 = arith.addi %add3A_243, %mul3A_242 : i32
          %dma_start3A_245 = tpu.memref_slice %arg3[%add3A_244] : memref<640000xi32, #tpu.memory_space<hbm>> -> memref<128xi32, #tpu.memory_space<hbm>>
          %dma_start3A_246 = tpu.memref_slice %arg3[%add3A_244] : memref<640000xi32, #tpu.memory_space<hbm>> -> memref<128xi32, #tpu.memory_space<hbm>>
          tpu.enqueue_dma source(%dma_start3A_246 : memref<128xi32, #tpu.memory_space<hbm>>) target(%arg14 : memref<128xi32, #tpu.memory_space<vmem>>) target_semaphore(%arg27 : memref<!tpu.dma_semaphore, #tpu.memory_space<semaphore_mem>>)
          %dma_start3A_247 = tpu.memref_slice %arg3[%mul3A_242] : memref<640000xi32, #tpu.memory_space<hbm>> -> memref<128xi32, #tpu.memory_space<hbm>>
          %dma_start3A_248 = tpu.memref_slice %arg3[%mul3A_242] : memref<640000xi32, #tpu.memory_space<hbm>> -> memref<128xi32, #tpu.memory_space<hbm>>
          tpu.enqueue_dma source(%dma_start3A_248 : memref<128xi32, #tpu.memory_space<hbm>>) target(%arg18 : memref<128xi32, #tpu.memory_space<vmem>>) target_semaphore(%arg27 : memref<!tpu.dma_semaphore, #tpu.memory_space<semaphore_mem>>)
        } else {
        }
        %ge3A_236 = arith.constant 2500 : i32
        %ge3A_237 = arith.cmpi sge, %add3A_230, %ge3A_236 : i32
        %convert_element_type3A_238 = arith.extui %ge3A_237 : i1 to i32
        %cond3A_239 = arith.constant 0 : i32
        %cond3A_240 = arith.cmpi ne, %convert_element_type3A_238, %cond3A_239 : i32
        scf.if %cond3A_240 {
          %sub3A = arith.constant 2500 : i32
          %sub3A_241 = arith.subi %add3A_230, %sub3A : i32
          %mul3A_242 = arith.constant 128 : i32
          %mul3A_243 = arith.muli %sub3A_241, %mul3A_242 : i32
          %dma_start3A_244 = tpu.memref_slice %arg5[%mul3A_243] : memref<7680xi32, #tpu.memory_space<hbm>> -> memref<128xi32, #tpu.memory_space<hbm>>
          %dma_start3A_245 = tpu.memref_slice %arg5[%mul3A_243] : memref<7680xi32, #tpu.memory_space<hbm>> -> memref<128xi32, #tpu.memory_space<hbm>>
          tpu.enqueue_dma source(%dma_start3A_245 : memref<128xi32, #tpu.memory_space<hbm>>) target(%arg14 : memref<128xi32, #tpu.memory_space<vmem>>) target_semaphore(%arg27 : memref<!tpu.dma_semaphore, #tpu.memory_space<semaphore_mem>>)
          %dma_start3A_246 = tpu.memref_slice %arg4[%mul3A_243] : memref<7680xi32, #tpu.memory_space<hbm>> -> memref<128xi32, #tpu.memory_space<hbm>>
          %dma_start3A_247 = tpu.memref_slice %arg4[%mul3A_243] : memref<7680xi32, #tpu.memory_space<hbm>> -> memref<128xi32, #tpu.memory_space<hbm>>
          tpu.enqueue_dma source(%dma_start3A_247 : memref<128xi32, #tpu.memory_space<hbm>>) target(%arg18 : memref<128xi32, #tpu.memory_space<vmem>>) target_semaphore(%arg27 : memref<!tpu.dma_semaphore, #tpu.memory_space<semaphore_mem>>)
        } else {
        }
      } else {
      }
      %mul3A_152 = arith.constant 4 : i32
      %mul3A_153 = arith.muli %mul3A_152, %scan3A_78 : i32
      %add3A_154 = arith.constant 2 : i32
      %add3A_155 = arith.addi %mul3A_153, %add3A_154 : i32
      %add3A_156 = arith.constant 1 : i32
      %add3A_157 = arith.addi %add3A_155, %add3A_156 : i32
      %lt3A_158 = arith.constant 80 : i32
      %lt3A_159 = arith.cmpi slt, %add3A_157, %lt3A_158 : i32
      %ge3A_160 = arith.constant 1 : i32
      %ge3A_161 = arith.cmpi sge, %add3A_155, %ge3A_160 : i32
      %and3A_162 = arith.andi %lt3A_159, %ge3A_161 : i1
      %convert_element_type3A_163 = arith.extui %and3A_162 : i1 to i32
      %cond3A_164 = arith.constant 0 : i32
      %cond3A_165 = arith.cmpi ne, %convert_element_type3A_163, %cond3A_164 : i32
      scf.if %cond3A_165 {
        %dma_wait3A_226 = arith.constant 0 : i32
        %dma_wait3A_227 = arith.constant 0 : i32
        %dma_wait3A_228 = tpu.memref_slice %arg22[%dma_wait3A_226, %dma_wait3A_227] : memref<10240x128xf32, #tpu.memory_space<vmem_shared>> -> memref<10240x128xf32, #tpu.memory_space<vmem_shared>>
        tpu.wait_indirect_dma semaphore(%arg31 : memref<!tpu.dma_semaphore, #tpu.memory_space<semaphore_mem>>) src(%arg20 : memref<128x128xf32, #tpu.memory_space<vmem>>) dst(%dma_wait3A_228 : memref<10240x128xf32, #tpu.memory_space<vmem_shared>>)
        %dma_wait3A_229 = arith.constant 0 : i32
        %dma_wait3A_230 = arith.constant 0 : i32
        %dma_wait3A_231 = tpu.memref_slice %arg23[%dma_wait3A_229, %dma_wait3A_230] : memref<10240x16xf32, #tpu.memory_space<vmem_shared>> -> memref<10240x16xf32, #tpu.memory_space<vmem_shared>>
        tpu.wait_indirect_dma semaphore(%arg33 : memref<!tpu.dma_semaphore, #tpu.memory_space<semaphore_mem>>) src(%arg21 : memref<128x16xf32, #tpu.memory_space<vmem>>) dst(%dma_wait3A_231 : memref<10240x16xf32, #tpu.memory_space<vmem_shared>>)
      } else {
      }
      %add3A_166 = arith.constant 1 : i32
      %add3A_167 = arith.addi %add3A_155, %add3A_166 : i32
      %lt3A_168 = arith.constant 80 : i32
      %lt3A_169 = arith.cmpi slt, %add3A_167, %lt3A_168 : i32
      %convert_element_type3A_170 = arith.extui %lt3A_169 : i1 to i32
      %cond3A_171 = arith.constant 0 : i32
      %cond3A_172 = arith.cmpi ne, %convert_element_type3A_170, %cond3A_171 : i32
      scf.if %cond3A_172 {
        %dma_wait3A_226 = arith.constant 0 : i32
        %dma_wait3A_227 = tpu.memref_slice %arg3[%dma_wait3A_226] : memref<640000xi32, #tpu.memory_space<hbm>> -> memref<128xi32, #tpu.memory_space<hbm>>
        %dma_wait3A_228 = arith.constant 0 : i32
        %dma_wait3A_229 = tpu.memref_slice %arg3[%dma_wait3A_228] : memref<640000xi32, #tpu.memory_space<hbm>> -> memref<128xi32, #tpu.memory_space<hbm>>
        tpu.wait_dma2 semaphore(%arg27 : memref<!tpu.dma_semaphore, #tpu.memory_space<semaphore_mem>>) src(%dma_wait3A_229 : memref<128xi32, #tpu.memory_space<hbm>>) dst(%arg14 : memref<128xi32, #tpu.memory_space<vmem>>)
        %dma_wait3A_230 = arith.constant 0 : i32
        %dma_wait3A_231 = tpu.memref_slice %arg3[%dma_wait3A_230] : memref<640000xi32, #tpu.memory_space<hbm>> -> memref<128xi32, #tpu.memory_space<hbm>>
        %dma_wait3A_232 = arith.constant 0 : i32
        %dma_wait3A_233 = tpu.memref_slice %arg3[%dma_wait3A_232] : memref<640000xi32, #tpu.memory_space<hbm>> -> memref<128xi32, #tpu.memory_space<hbm>>
        tpu.wait_dma2 semaphore(%arg27 : memref<!tpu.dma_semaphore, #tpu.memory_space<semaphore_mem>>) src(%dma_wait3A_233 : memref<128xi32, #tpu.memory_space<hbm>>) dst(%arg18 : memref<128xi32, #tpu.memory_space<vmem>>)
        %dma_start3A_234 = arith.constant 0 : i32
        %dma_start3A_235 = arith.constant 0 : i32
        %dma_start3A_236 = tpu.memref_slice %arg2[%dma_start3A_234, %dma_start3A_235] : memref<10000x128xf32, #tpu.memory_space<hbm>> -> memref<10000x128xf32, #tpu.memory_space<hbm>>
        tpu.enqueue_indirect_dma source(%dma_start3A_236 : memref<10000x128xf32, #tpu.memory_space<hbm>>) target(%arg20 : memref<128x128xf32, #tpu.memory_space<vmem>>) offsets(%arg14 : memref<128xi32, #tpu.memory_space<vmem>>) semaphore(%arg29 : memref<!tpu.dma_semaphore, #tpu.memory_space<semaphore_mem>>)
      } else {
      }
      %dma_wait3A_173 = arith.constant 0 : i32
      %dma_wait3A_174 = arith.constant 0 : i32
      %dma_wait3A_175 = tpu.memref_slice %arg2[%dma_wait3A_173, %dma_wait3A_174] : memref<10000x128xf32, #tpu.memory_space<hbm>> -> memref<10000x128xf32, #tpu.memory_space<hbm>>
      tpu.wait_indirect_dma semaphore(%arg28 : memref<!tpu.dma_semaphore, #tpu.memory_space<semaphore_mem>>) src(%dma_wait3A_175 : memref<10000x128xf32, #tpu.memory_space<hbm>>) dst(%arg19 : memref<128x128xf32, #tpu.memory_space<vmem>>)
      %dma_start3A_176 = arith.constant 0 : i32
      %dma_start3A_177 = arith.constant 0 : i32
      %dma_start3A_178 = tpu.memref_slice %arg22[%dma_start3A_176, %dma_start3A_177] : memref<10240x128xf32, #tpu.memory_space<vmem_shared>> -> memref<10240x128xf32, #tpu.memory_space<vmem_shared>>
      tpu.enqueue_indirect_dma source(%arg19 : memref<128x128xf32, #tpu.memory_space<vmem>>) target(%dma_start3A_178 : memref<10240x128xf32, #tpu.memory_space<vmem_shared>>) offsets(%arg17 : memref<128xi32, #tpu.memory_space<vmem>>) semaphore(%arg30 : memref<!tpu.dma_semaphore, #tpu.memory_space<semaphore_mem>>) {add = true}
      %dma_start3A_179 = arith.constant 0 : i32
      %dma_start3A_180 = arith.constant 0 : i32
      %dma_start3A_181 = tpu.memref_slice %arg23[%dma_start3A_179, %dma_start3A_180] : memref<10240x16xf32, #tpu.memory_space<vmem_shared>> -> memref<10240x16xf32, #tpu.memory_space<vmem_shared>>
      tpu.enqueue_indirect_dma source(%arg21 : memref<128x16xf32, #tpu.memory_space<vmem>>) target(%dma_start3A_181 : memref<10240x16xf32, #tpu.memory_space<vmem_shared>>) offsets(%arg17 : memref<128xi32, #tpu.memory_space<vmem>>) semaphore(%arg32 : memref<!tpu.dma_semaphore, #tpu.memory_space<semaphore_mem>>) {add = true}
      %add3A_182 = arith.constant 2 : i32
      %add3A_183 = arith.addi %add3A_155, %add3A_182 : i32
      %lt3A_184 = arith.constant 80 : i32
      %lt3A_185 = arith.cmpi slt, %add3A_183, %lt3A_184 : i32
      %convert_element_type3A_186 = arith.extui %lt3A_185 : i1 to i32
      %cond3A_187 = arith.constant 0 : i32
      %cond3A_188 = arith.cmpi ne, %convert_element_type3A_186, %cond3A_187 : i32
      scf.if %cond3A_188 {
        %add3A_226 = arith.constant 2 : i32
        %add3A_227 = arith.addi %add3A_155, %add3A_226 : i32
        %mul3A_228 = arith.constant 32 : i32
        %mul3A_229 = arith.muli %add3A_227, %mul3A_228 : i32
        %add3A_230 = arith.addi %add3A, %mul3A_229 : i32
        %lt3A_231 = arith.constant 2500 : i32
        %lt3A_232 = arith.cmpi slt, %add3A_230, %lt3A_231 : i32
        %convert_element_type3A_233 = arith.extui %lt3A_232 : i1 to i32
        %cond3A_234 = arith.constant 0 : i32
        %cond3A_235 = arith.cmpi ne, %convert_element_type3A_233, %cond3A_234 : i32
        scf.if %cond3A_235 {
          %mul3A_241 = arith.constant 128 : i32
          %mul3A_242 = arith.muli %add3A_230, %mul3A_241 : i32
          %add3A_243 = arith.constant 320000 : i32
          %add3A_244 = arith.addi %add3A_243, %mul3A_242 : i32
          %dma_start3A_245 = tpu.memref_slice %arg3[%add3A_244] : memref<640000xi32, #tpu.memory_space<hbm>> -> memref<128xi32, #tpu.memory_space<hbm>>
          %dma_start3A_246 = tpu.memref_slice %arg3[%add3A_244] : memref<640000xi32, #tpu.memory_space<hbm>> -> memref<128xi32, #tpu.memory_space<hbm>>
          tpu.enqueue_dma source(%dma_start3A_246 : memref<128xi32, #tpu.memory_space<hbm>>) target(%arg11 : memref<128xi32, #tpu.memory_space<vmem>>) target_semaphore(%arg24 : memref<!tpu.dma_semaphore, #tpu.memory_space<semaphore_mem>>)
          %dma_start3A_247 = tpu.memref_slice %arg3[%mul3A_242] : memref<640000xi32, #tpu.memory_space<hbm>> -> memref<128xi32, #tpu.memory_space<hbm>>
          %dma_start3A_248 = tpu.memref_slice %arg3[%mul3A_242] : memref<640000xi32, #tpu.memory_space<hbm>> -> memref<128xi32, #tpu.memory_space<hbm>>
          tpu.enqueue_dma source(%dma_start3A_248 : memref<128xi32, #tpu.memory_space<hbm>>) target(%arg15 : memref<128xi32, #tpu.memory_space<vmem>>) target_semaphore(%arg24 : memref<!tpu.dma_semaphore, #tpu.memory_space<semaphore_mem>>)
        } else {
        }
        %ge3A_236 = arith.constant 2500 : i32
        %ge3A_237 = arith.cmpi sge, %add3A_230, %ge3A_236 : i32
        %convert_element_type3A_238 = arith.extui %ge3A_237 : i1 to i32
        %cond3A_239 = arith.constant 0 : i32
        %cond3A_240 = arith.cmpi ne, %convert_element_type3A_238, %cond3A_239 : i32
        scf.if %cond3A_240 {
          %sub3A = arith.constant 2500 : i32
          %sub3A_241 = arith.subi %add3A_230, %sub3A : i32
          %mul3A_242 = arith.constant 128 : i32
          %mul3A_243 = arith.muli %sub3A_241, %mul3A_242 : i32
          %dma_start3A_244 = tpu.memref_slice %arg5[%mul3A_243] : memref<7680xi32, #tpu.memory_space<hbm>> -> memref<128xi32, #tpu.memory_space<hbm>>
          %dma_start3A_245 = tpu.memref_slice %arg5[%mul3A_243] : memref<7680xi32, #tpu.memory_space<hbm>> -> memref<128xi32, #tpu.memory_space<hbm>>
          tpu.enqueue_dma source(%dma_start3A_245 : memref<128xi32, #tpu.memory_space<hbm>>) target(%arg11 : memref<128xi32, #tpu.memory_space<vmem>>) target_semaphore(%arg24 : memref<!tpu.dma_semaphore, #tpu.memory_space<semaphore_mem>>)
          %dma_start3A_246 = tpu.memref_slice %arg4[%mul3A_243] : memref<7680xi32, #tpu.memory_space<hbm>> -> memref<128xi32, #tpu.memory_space<hbm>>
          %dma_start3A_247 = tpu.memref_slice %arg4[%mul3A_243] : memref<7680xi32, #tpu.memory_space<hbm>> -> memref<128xi32, #tpu.memory_space<hbm>>
          tpu.enqueue_dma source(%dma_start3A_247 : memref<128xi32, #tpu.memory_space<hbm>>) target(%arg15 : memref<128xi32, #tpu.memory_space<vmem>>) target_semaphore(%arg24 : memref<!tpu.dma_semaphore, #tpu.memory_space<semaphore_mem>>)
        } else {
        }
      } else {
      }
      %mul3A_189 = arith.constant 4 : i32
      %mul3A_190 = arith.muli %mul3A_189, %scan3A_78 : i32
      %add3A_191 = arith.constant 3 : i32
      %add3A_192 = arith.addi %mul3A_190, %add3A_191 : i32
      %add3A_193 = arith.constant 1 : i32
      %add3A_194 = arith.addi %add3A_192, %add3A_193 : i32
      %lt3A_195 = arith.constant 80 : i32
      %lt3A_196 = arith.cmpi slt, %add3A_194, %lt3A_195 : i32
      %ge3A_197 = arith.constant 1 : i32
      %ge3A_198 = arith.cmpi sge, %add3A_192, %ge3A_197 : i32
      %and3A_199 = arith.andi %lt3A_196, %ge3A_198 : i1
      %convert_element_type3A_200 = arith.extui %and3A_199 : i1 to i32
      %cond3A_201 = arith.constant 0 : i32
      %cond3A_202 = arith.cmpi ne, %convert_element_type3A_200, %cond3A_201 : i32
      scf.if %cond3A_202 {
        %dma_wait3A_226 = arith.constant 0 : i32
        %dma_wait3A_227 = arith.constant 0 : i32
        %dma_wait3A_228 = tpu.memref_slice %arg22[%dma_wait3A_226, %dma_wait3A_227] : memref<10240x128xf32, #tpu.memory_space<vmem_shared>> -> memref<10240x128xf32, #tpu.memory_space<vmem_shared>>
        tpu.wait_indirect_dma semaphore(%arg30 : memref<!tpu.dma_semaphore, #tpu.memory_space<semaphore_mem>>) src(%arg19 : memref<128x128xf32, #tpu.memory_space<vmem>>) dst(%dma_wait3A_228 : memref<10240x128xf32, #tpu.memory_space<vmem_shared>>)
        %dma_wait3A_229 = arith.constant 0 : i32
        %dma_wait3A_230 = arith.constant 0 : i32
        %dma_wait3A_231 = tpu.memref_slice %arg23[%dma_wait3A_229, %dma_wait3A_230] : memref<10240x16xf32, #tpu.memory_space<vmem_shared>> -> memref<10240x16xf32, #tpu.memory_space<vmem_shared>>
        tpu.wait_indirect_dma semaphore(%arg32 : memref<!tpu.dma_semaphore, #tpu.memory_space<semaphore_mem>>) src(%arg21 : memref<128x16xf32, #tpu.memory_space<vmem>>) dst(%dma_wait3A_231 : memref<10240x16xf32, #tpu.memory_space<vmem_shared>>)
      } else {
      }
      %add3A_203 = arith.constant 1 : i32
      %add3A_204 = arith.addi %add3A_192, %add3A_203 : i32
      %lt3A_205 = arith.constant 80 : i32
      %lt3A_206 = arith.cmpi slt, %add3A_204, %lt3A_205 : i32
      %convert_element_type3A_207 = arith.extui %lt3A_206 : i1 to i32
      %cond3A_208 = arith.constant 0 : i32
      %cond3A_209 = arith.cmpi ne, %convert_element_type3A_207, %cond3A_208 : i32
      scf.if %cond3A_209 {
        %dma_wait3A_226 = arith.constant 0 : i32
        %dma_wait3A_227 = tpu.memref_slice %arg3[%dma_wait3A_226] : memref<640000xi32, #tpu.memory_space<hbm>> -> memref<128xi32, #tpu.memory_space<hbm>>
        %dma_wait3A_228 = arith.constant 0 : i32
        %dma_wait3A_229 = tpu.memref_slice %arg3[%dma_wait3A_228] : memref<640000xi32, #tpu.memory_space<hbm>> -> memref<128xi32, #tpu.memory_space<hbm>>
        tpu.wait_dma2 semaphore(%arg24 : memref<!tpu.dma_semaphore, #tpu.memory_space<semaphore_mem>>) src(%dma_wait3A_229 : memref<128xi32, #tpu.memory_space<hbm>>) dst(%arg11 : memref<128xi32, #tpu.memory_space<vmem>>)
        %dma_wait3A_230 = arith.constant 0 : i32
        %dma_wait3A_231 = tpu.memref_slice %arg3[%dma_wait3A_230] : memref<640000xi32, #tpu.memory_space<hbm>> -> memref<128xi32, #tpu.memory_space<hbm>>
        %dma_wait3A_232 = arith.constant 0 : i32
        %dma_wait3A_233 = tpu.memref_slice %arg3[%dma_wait3A_232] : memref<640000xi32, #tpu.memory_space<hbm>> -> memref<128xi32, #tpu.memory_space<hbm>>
        tpu.wait_dma2 semaphore(%arg24 : memref<!tpu.dma_semaphore, #tpu.memory_space<semaphore_mem>>) src(%dma_wait3A_233 : memref<128xi32, #tpu.memory_space<hbm>>) dst(%arg15 : memref<128xi32, #tpu.memory_space<vmem>>)
        %dma_start3A_234 = arith.constant 0 : i32
        %dma_start3A_235 = arith.constant 0 : i32
        %dma_start3A_236 = tpu.memref_slice %arg2[%dma_start3A_234, %dma_start3A_235] : memref<10000x128xf32, #tpu.memory_space<hbm>> -> memref<10000x128xf32, #tpu.memory_space<hbm>>
        tpu.enqueue_indirect_dma source(%dma_start3A_236 : memref<10000x128xf32, #tpu.memory_space<hbm>>) target(%arg19 : memref<128x128xf32, #tpu.memory_space<vmem>>) offsets(%arg11 : memref<128xi32, #tpu.memory_space<vmem>>) semaphore(%arg28 : memref<!tpu.dma_semaphore, #tpu.memory_space<semaphore_mem>>)
      } else {
      }
      %dma_wait3A_210 = arith.constant 0 : i32
      %dma_wait3A_211 = arith.constant 0 : i32
      %dma_wait3A_212 = tpu.memref_slice %arg2[%dma_wait3A_210, %dma_wait3A_211] : memref<10000x128xf32, #tpu.memory_space<hbm>> -> memref<10000x128xf32, #tpu.memory_space<hbm>>
      tpu.wait_indirect_dma semaphore(%arg29 : memref<!tpu.dma_semaphore, #tpu.memory_space<semaphore_mem>>) src(%dma_wait3A_212 : memref<10000x128xf32, #tpu.memory_space<hbm>>) dst(%arg20 : memref<128x128xf32, #tpu.memory_space<vmem>>)
      %dma_start3A_213 = arith.constant 0 : i32
      %dma_start3A_214 = arith.constant 0 : i32
      %dma_start3A_215 = tpu.memref_slice %arg22[%dma_start3A_213, %dma_start3A_214] : memref<10240x128xf32, #tpu.memory_space<vmem_shared>> -> memref<10240x128xf32, #tpu.memory_space<vmem_shared>>
      tpu.enqueue_indirect_dma source(%arg20 : memref<128x128xf32, #tpu.memory_space<vmem>>) target(%dma_start3A_215 : memref<10240x128xf32, #tpu.memory_space<vmem_shared>>) offsets(%arg18 : memref<128xi32, #tpu.memory_space<vmem>>) semaphore(%arg31 : memref<!tpu.dma_semaphore, #tpu.memory_space<semaphore_mem>>) {add = true}
      %dma_start3A_216 = arith.constant 0 : i32
      %dma_start3A_217 = arith.constant 0 : i32
      %dma_start3A_218 = tpu.memref_slice %arg23[%dma_start3A_216, %dma_start3A_217] : memref<10240x16xf32, #tpu.memory_space<vmem_shared>> -> memref<10240x16xf32, #tpu.memory_space<vmem_shared>>
      tpu.enqueue_indirect_dma source(%arg21 : memref<128x16xf32, #tpu.memory_space<vmem>>) target(%dma_start3A_218 : memref<10240x16xf32, #tpu.memory_space<vmem_shared>>) offsets(%arg18 : memref<128xi32, #tpu.memory_space<vmem>>) semaphore(%arg33 : memref<!tpu.dma_semaphore, #tpu.memory_space<semaphore_mem>>) {add = true}
      %add3A_219 = arith.constant 2 : i32
      %add3A_220 = arith.addi %add3A_192, %add3A_219 : i32
      %lt3A_221 = arith.constant 80 : i32
      %lt3A_222 = arith.cmpi slt, %add3A_220, %lt3A_221 : i32
      %convert_element_type3A_223 = arith.extui %lt3A_222 : i1 to i32
      %cond3A_224 = arith.constant 0 : i32
      %cond3A_225 = arith.cmpi ne, %convert_element_type3A_223, %cond3A_224 : i32
      scf.if %cond3A_225 {
        %add3A_226 = arith.constant 2 : i32
        %add3A_227 = arith.addi %add3A_192, %add3A_226 : i32
        %mul3A_228 = arith.constant 32 : i32
        %mul3A_229 = arith.muli %add3A_227, %mul3A_228 : i32
        %add3A_230 = arith.addi %add3A, %mul3A_229 : i32
        %lt3A_231 = arith.constant 2500 : i32
        %lt3A_232 = arith.cmpi slt, %add3A_230, %lt3A_231 : i32
        %convert_element_type3A_233 = arith.extui %lt3A_232 : i1 to i32
        %cond3A_234 = arith.constant 0 : i32
        %cond3A_235 = arith.cmpi ne, %convert_element_type3A_233, %cond3A_234 : i32
        scf.if %cond3A_235 {
          %mul3A_241 = arith.constant 128 : i32
          %mul3A_242 = arith.muli %add3A_230, %mul3A_241 : i32
          %add3A_243 = arith.constant 320000 : i32
          %add3A_244 = arith.addi %add3A_243, %mul3A_242 : i32
          %dma_start3A_245 = tpu.memref_slice %arg3[%add3A_244] : memref<640000xi32, #tpu.memory_space<hbm>> -> memref<128xi32, #tpu.memory_space<hbm>>
          %dma_start3A_246 = tpu.memref_slice %arg3[%add3A_244] : memref<640000xi32, #tpu.memory_space<hbm>> -> memref<128xi32, #tpu.memory_space<hbm>>
          tpu.enqueue_dma source(%dma_start3A_246 : memref<128xi32, #tpu.memory_space<hbm>>) target(%arg12 : memref<128xi32, #tpu.memory_space<vmem>>) target_semaphore(%arg25 : memref<!tpu.dma_semaphore, #tpu.memory_space<semaphore_mem>>)
          %dma_start3A_247 = tpu.memref_slice %arg3[%mul3A_242] : memref<640000xi32, #tpu.memory_space<hbm>> -> memref<128xi32, #tpu.memory_space<hbm>>
          %dma_start3A_248 = tpu.memref_slice %arg3[%mul3A_242] : memref<640000xi32, #tpu.memory_space<hbm>> -> memref<128xi32, #tpu.memory_space<hbm>>
          tpu.enqueue_dma source(%dma_start3A_248 : memref<128xi32, #tpu.memory_space<hbm>>) target(%arg16 : memref<128xi32, #tpu.memory_space<vmem>>) target_semaphore(%arg25 : memref<!tpu.dma_semaphore, #tpu.memory_space<semaphore_mem>>)
        } else {
        }
        %ge3A_236 = arith.constant 2500 : i32
        %ge3A_237 = arith.cmpi sge, %add3A_230, %ge3A_236 : i32
        %convert_element_type3A_238 = arith.extui %ge3A_237 : i1 to i32
        %cond3A_239 = arith.constant 0 : i32
        %cond3A_240 = arith.cmpi ne, %convert_element_type3A_238, %cond3A_239 : i32
        scf.if %cond3A_240 {
          %sub3A = arith.constant 2500 : i32
          %sub3A_241 = arith.subi %add3A_230, %sub3A : i32
          %mul3A_242 = arith.constant 128 : i32
          %mul3A_243 = arith.muli %sub3A_241, %mul3A_242 : i32
          %dma_start3A_244 = tpu.memref_slice %arg5[%mul3A_243] : memref<7680xi32, #tpu.memory_space<hbm>> -> memref<128xi32, #tpu.memory_space<hbm>>
          %dma_start3A_245 = tpu.memref_slice %arg5[%mul3A_243] : memref<7680xi32, #tpu.memory_space<hbm>> -> memref<128xi32, #tpu.memory_space<hbm>>
          tpu.enqueue_dma source(%dma_start3A_245 : memref<128xi32, #tpu.memory_space<hbm>>) target(%arg12 : memref<128xi32, #tpu.memory_space<vmem>>) target_semaphore(%arg25 : memref<!tpu.dma_semaphore, #tpu.memory_space<semaphore_mem>>)
          %dma_start3A_246 = tpu.memref_slice %arg4[%mul3A_243] : memref<7680xi32, #tpu.memory_space<hbm>> -> memref<128xi32, #tpu.memory_space<hbm>>
          %dma_start3A_247 = tpu.memref_slice %arg4[%mul3A_243] : memref<7680xi32, #tpu.memory_space<hbm>> -> memref<128xi32, #tpu.memory_space<hbm>>
          tpu.enqueue_dma source(%dma_start3A_247 : memref<128xi32, #tpu.memory_space<hbm>>) target(%arg16 : memref<128xi32, #tpu.memory_space<vmem>>) target_semaphore(%arg25 : memref<!tpu.dma_semaphore, #tpu.memory_space<semaphore_mem>>)
        } else {
        }
      } else {
      }
    }
    %scan3A_56 = arith.constant 20 : i32
    %dma_wait3A_57 = arith.constant 0 : i32
    %dma_wait3A_58 = arith.constant 0 : i32
    %dma_wait3A_59 = tpu.memref_slice %arg22[%dma_wait3A_57, %dma_wait3A_58] : memref<10240x128xf32, #tpu.memory_space<vmem_shared>> -> memref<10240x128xf32, #tpu.memory_space<vmem_shared>>
    tpu.wait_indirect_dma semaphore(%arg30 : memref<!tpu.dma_semaphore, #tpu.memory_space<semaphore_mem>>) src(%arg19 : memref<128x128xf32, #tpu.memory_space<vmem>>) dst(%dma_wait3A_59 : memref<10240x128xf32, #tpu.memory_space<vmem_shared>>)
    %dma_wait3A_60 = arith.constant 0 : i32
    %dma_wait3A_61 = arith.constant 0 : i32
    %dma_wait3A_62 = tpu.memref_slice %arg23[%dma_wait3A_60, %dma_wait3A_61] : memref<10240x16xf32, #tpu.memory_space<vmem_shared>> -> memref<10240x16xf32, #tpu.memory_space<vmem_shared>>
    tpu.wait_indirect_dma semaphore(%arg32 : memref<!tpu.dma_semaphore, #tpu.memory_space<semaphore_mem>>) src(%arg21 : memref<128x16xf32, #tpu.memory_space<vmem>>) dst(%dma_wait3A_62 : memref<10240x16xf32, #tpu.memory_space<vmem_shared>>)
    %dma_wait3A_63 = arith.constant 0 : i32
    %dma_wait3A_64 = arith.constant 0 : i32
    %dma_wait3A_65 = tpu.memref_slice %arg22[%dma_wait3A_63, %dma_wait3A_64] : memref<10240x128xf32, #tpu.memory_space<vmem_shared>> -> memref<10240x128xf32, #tpu.memory_space<vmem_shared>>
    tpu.wait_indirect_dma semaphore(%arg31 : memref<!tpu.dma_semaphore, #tpu.memory_space<semaphore_mem>>) src(%arg20 : memref<128x128xf32, #tpu.memory_space<vmem>>) dst(%dma_wait3A_65 : memref<10240x128xf32, #tpu.memory_space<vmem_shared>>)
    %dma_wait3A_66 = arith.constant 0 : i32
    %dma_wait3A_67 = arith.constant 0 : i32
    %dma_wait3A_68 = tpu.memref_slice %arg23[%dma_wait3A_66, %dma_wait3A_67] : memref<10240x16xf32, #tpu.memory_space<vmem_shared>> -> memref<10240x16xf32, #tpu.memory_space<vmem_shared>>
    tpu.wait_indirect_dma semaphore(%arg33 : memref<!tpu.dma_semaphore, #tpu.memory_space<semaphore_mem>>) src(%arg21 : memref<128x16xf32, #tpu.memory_space<vmem>>) dst(%dma_wait3A_68 : memref<10240x16xf32, #tpu.memory_space<vmem_shared>>)
    %barrier3A_69 = arith.constant 0 : index
    tpu.barrier barrier_id(%barrier3A_69)
    %mul3A_70 = arith.constant 640 : i32
    %mul3A_71 = arith.muli %arg1, %mul3A_70 : i32
    %mul3A_72 = arith.constant 640 : i32
    %mul3A_73 = arith.muli %arg1, %mul3A_72 : i32
    "tpu.region"() ({
      %run_scoped3A = tpu.sem_alloc : memref<!tpu.dma_semaphore, #tpu.memory_space<semaphore_mem>>
      %dma_start3A_78 = arith.constant 0 : i32
      %dma_start3A_79 = tpu.memref_slice %arg9[%arg0, %mul3A_73, %dma_start3A_78] : memref<2x10240x128xf32, #tpu.memory_space<hbm>> -> memref<1x640x128xf32, #tpu.memory_space<hbm>>
      %dma_start3A_80 = tpu.memref_squeeze %dma_start3A_79 : memref<1x640x128xf32, #tpu.memory_space<hbm>> -> memref<640x128xf32, #tpu.memory_space<hbm>>
      %dma_start3A_81 = arith.constant 0 : i32
      %dma_start3A_82 = tpu.memref_slice %arg22[%mul3A_71, %dma_start3A_81] : memref<10240x128xf32, #tpu.memory_space<vmem_shared>> -> memref<640x128xf32, #tpu.memory_space<vmem_shared>>
      tpu.enqueue_dma source(%dma_start3A_82 : memref<640x128xf32, #tpu.memory_space<vmem_shared>>) target(%dma_start3A_80 : memref<640x128xf32, #tpu.memory_space<hbm>>) target_semaphore(%run_scoped3A : memref<!tpu.dma_semaphore, #tpu.memory_space<semaphore_mem>>)
      %dma_wait3A_83 = arith.constant 0 : i32
      %dma_wait3A_84 = tpu.memref_slice %arg9[%arg0, %mul3A_73, %dma_wait3A_83] : memref<2x10240x128xf32, #tpu.memory_space<hbm>> -> memref<1x640x128xf32, #tpu.memory_space<hbm>>
      %dma_wait3A_85 = tpu.memref_squeeze %dma_wait3A_84 : memref<1x640x128xf32, #tpu.memory_space<hbm>> -> memref<640x128xf32, #tpu.memory_space<hbm>>
      %dma_wait3A_86 = arith.constant 0 : i32
      %dma_wait3A_87 = tpu.memref_slice %arg22[%mul3A_71, %dma_wait3A_86] : memref<10240x128xf32, #tpu.memory_space<vmem_shared>> -> memref<640x128xf32, #tpu.memory_space<vmem_shared>>
      tpu.wait_dma2 semaphore(%run_scoped3A : memref<!tpu.dma_semaphore, #tpu.memory_space<semaphore_mem>>) src(%dma_wait3A_87 : memref<640x128xf32, #tpu.memory_space<vmem_shared>>) dst(%dma_wait3A_85 : memref<640x128xf32, #tpu.memory_space<hbm>>)
      tpu.yield
    }) : () -> ()
    %mul3A_74 = arith.constant 640 : i32
    %mul3A_75 = arith.muli %arg1, %mul3A_74 : i32
    %mul3A_76 = arith.constant 640 : i32
    %mul3A_77 = arith.muli %arg1, %mul3A_76 : i32
    "tpu.region"() ({
      %run_scoped3A = tpu.sem_alloc : memref<!tpu.dma_semaphore, #tpu.memory_space<semaphore_mem>>
      %dma_start3A_78 = arith.constant 0 : i32
      %dma_start3A_79 = tpu.memref_slice %arg10[%arg0, %mul3A_77, %dma_start3A_78] : memref<2x10240x16xf32, #tpu.memory_space<hbm>> -> memref<1x640x16xf32, #tpu.memory_space<hbm>>
      %dma_start3A_80 = tpu.memref_squeeze %dma_start3A_79 : memref<1x640x16xf32, #tpu.memory_space<hbm>> -> memref<640x16xf32, #tpu.memory_space<hbm>>
      %dma_start3A_81 = arith.constant 0 : i32
      %dma_start3A_82 = tpu.memref_slice %arg23[%mul3A_75, %dma_start3A_81] : memref<10240x16xf32, #tpu.memory_space<vmem_shared>> -> memref<640x16xf32, #tpu.memory_space<vmem_shared>>
      tpu.enqueue_dma source(%dma_start3A_82 : memref<640x16xf32, #tpu.memory_space<vmem_shared>>) target(%dma_start3A_80 : memref<640x16xf32, #tpu.memory_space<hbm>>) target_semaphore(%run_scoped3A : memref<!tpu.dma_semaphore, #tpu.memory_space<semaphore_mem>>)
      %dma_wait3A_83 = arith.constant 0 : i32
      %dma_wait3A_84 = tpu.memref_slice %arg10[%arg0, %mul3A_77, %dma_wait3A_83] : memref<2x10240x16xf32, #tpu.memory_space<hbm>> -> memref<1x640x16xf32, #tpu.memory_space<hbm>>
      %dma_wait3A_85 = tpu.memref_squeeze %dma_wait3A_84 : memref<1x640x16xf32, #tpu.memory_space<hbm>> -> memref<640x16xf32, #tpu.memory_space<hbm>>
      %dma_wait3A_86 = arith.constant 0 : i32
      %dma_wait3A_87 = tpu.memref_slice %arg23[%mul3A_75, %dma_wait3A_86] : memref<10240x16xf32, #tpu.memory_space<vmem_shared>> -> memref<640x16xf32, #tpu.memory_space<vmem_shared>>
      tpu.wait_dma2 semaphore(%run_scoped3A : memref<!tpu.dma_semaphore, #tpu.memory_space<semaphore_mem>>) src(%dma_wait3A_87 : memref<640x16xf32, #tpu.memory_space<vmem_shared>>) dst(%dma_wait3A_85 : memref<640x16xf32, #tpu.memory_space<hbm>>)
      tpu.yield
    }) : () -> ()
    return
  }
}

module attributes {stable_mosaic.version = 14 : i64} {
  func.func @_tc_finish_body(%arg0: i32, %arg1: memref<2000x128xf32, #tpu.memory_space<vmem>>, %arg2: memref<2x2000x128xf32, #tpu.memory_space<vmem>>, %arg3: memref<2x2000x16xf32, #tpu.memory_space<vmem>>, %arg4: memref<128x128xf32, #tpu.memory_space<vmem>>, %arg5: memref<1x128xf32, #tpu.memory_space<vmem>>, %arg6: memref<1x128xf32, #tpu.memory_space<vmem>>, %arg7: memref<1x128xf32, #tpu.memory_space<vmem>>, %arg8: memref<2000x128xf32, #tpu.memory_space<vmem>>) attributes {dimension_semantics = [#tpu.dimension_semantics<arbitrary>], iteration_bounds = array<i64: 5>, scalar_prefetch = 0 : i64, scratch_operands = 0 : i64, tpu.core_type = #tpu.core_type<tc>, window_params = [{transform_indices = @transform_0, window_bounds = array<i64: 2000, 128>}, {transform_indices = @transform_1, window_bounds = array<i64: 2, 2000, 128>}, {transform_indices = @transform_2, window_bounds = array<i64: 2, 2000, 16>}, {pipeline_mode = #tpu.pipeline_mode<synchronous>, transform_indices = @transform_3, window_bounds = array<i64: 128, 128>}, {pipeline_mode = #tpu.pipeline_mode<synchronous>, transform_indices = @transform_4, window_bounds = array<i64: 1, 128>}, {pipeline_mode = #tpu.pipeline_mode<synchronous>, transform_indices = @transform_5, window_bounds = array<i64: 1, 128>}, {pipeline_mode = #tpu.pipeline_mode<synchronous>, transform_indices = @transform_6, window_bounds = array<i64: 1, 128>}, {transform_indices = @transform_7, window_bounds = array<i64: 2000, 128>}]} {
    %get3A = arith.constant 0 : index
    %get3A_0 = arith.constant 0 : index
    %get3A_1 = vector.load %arg1[%get3A, %get3A_0] : memref<2000x128xf32, #tpu.memory_space<vmem>>, vector<2000x128xf32>
    %get3A_2 = arith.constant 0 : index
    %get3A_3 = arith.constant 0 : index
    %get3A_4 = arith.constant 0 : index
    %get3A_5 = vector.load %arg2[%get3A_2, %get3A_3, %get3A_4] : memref<2x2000x128xf32, #tpu.memory_space<vmem>>, vector<1x2000x128xf32>
    %get3A_6 = vector.shape_cast %get3A_5 : vector<1x2000x128xf32> to vector<2000x128xf32>
    %add3A = arith.addf %get3A_1, %get3A_6 : vector<2000x128xf32>
    %get3A_7 = arith.constant 1 : index
    %get3A_8 = arith.constant 0 : index
    %get3A_9 = arith.constant 0 : index
    %get3A_10 = vector.load %arg2[%get3A_7, %get3A_8, %get3A_9] : memref<2x2000x128xf32, #tpu.memory_space<vmem>>, vector<1x2000x128xf32>
    %get3A_11 = vector.shape_cast %get3A_10 : vector<1x2000x128xf32> to vector<2000x128xf32>
    %add3A_12 = arith.addf %add3A, %get3A_11 : vector<2000x128xf32>
    %get3A_13 = arith.constant 0 : index
    %get3A_14 = arith.constant 0 : index
    %get3A_15 = vector.load %arg4[%get3A_13, %get3A_14] : memref<128x128xf32, #tpu.memory_space<vmem>>, vector<128x128xf32>
    %dot_general3A = arith.constant dense<0.000000e+00> : vector<2000x128xf32>
    %dot_general3A_16 = tpu.matmul %add3A_12, %get3A_15, %dot_general3A {dimension_numbers = #tpu.dot_dimension_numbers<[1], [1], [0], [0], [0, 0, 1, 0], [], []>, transpose_lhs_hint = false} : vector<2000x128xf32>, vector<128x128xf32>, vector<2000x128xf32> -> vector<2000x128xf32>
    %get3A_17 = arith.constant 0 : index
    %get3A_18 = arith.constant 0 : index
    %get3A_19 = arith.constant 0 : index
    %get3A_20 = vector.load %arg3[%get3A_17, %get3A_18, %get3A_19] : memref<2x2000x16xf32, #tpu.memory_space<vmem>>, vector<1x2000x1xf32>
    %get3A_21 = vector.shape_cast %get3A_20 : vector<1x2000x1xf32> to vector<2000x1xf32>
    %get3A_22 = arith.constant 1 : index
    %get3A_23 = arith.constant 0 : index
    %get3A_24 = arith.constant 0 : index
    %get3A_25 = vector.load %arg3[%get3A_22, %get3A_23, %get3A_24] : memref<2x2000x16xf32, #tpu.memory_space<vmem>>, vector<1x2000x1xf32>
    %get3A_26 = vector.shape_cast %get3A_25 : vector<1x2000x1xf32> to vector<2000x1xf32>
    %add3A_27 = arith.addf %get3A_21, %get3A_26 : vector<2000x1xf32>
    %add3A_28 = arith.constant 1.000000e+00 : f32
    %add3A_29 = vector.broadcast %add3A_28 : f32 to vector<2000x1xf32>
    %add3A_30 = arith.addf %add3A_27, %add3A_29 : vector<2000x1xf32>
    %get3A_31 = arith.constant 0 : index
    %get3A_32 = arith.constant 0 : index
    %get3A_33 = vector.load %arg5[%get3A_31, %get3A_32] : memref<1x128xf32, #tpu.memory_space<vmem>>, vector<1x128xf32>
    %mul3A = vector.broadcast %add3A_30 : vector<2000x1xf32> to vector<2000x128xf32>
    %mul3A_34 = vector.broadcast %get3A_33 : vector<1x128xf32> to vector<2000x128xf32>
    %mul3A_35 = arith.mulf %mul3A, %mul3A_34 : vector<2000x128xf32>
    %add3A_36 = arith.addf %dot_general3A_16, %mul3A_35 : vector<2000x128xf32>
    %reduce_sum3A = arith.constant dense<0.000000e+00> : vector<2000xf32>
    %reduce_sum3A_37 = vector.multi_reduction <add>, %add3A_36, %reduce_sum3A [1] : vector<2000x128xf32> to vector<2000xf32>
    %broadcast_in_dim3A = vector.shape_cast %reduce_sum3A_37 : vector<2000xf32> to vector<2000x1xf32>
    %div3A = arith.constant 1.280000e+02 : f32
    %div3A_38 = vector.broadcast %div3A : f32 to vector<2000x1xf32>
    %div3A_39 = arith.divf %broadcast_in_dim3A, %div3A_38 : vector<2000x1xf32>
    %sub3A = vector.broadcast %div3A_39 : vector<2000x1xf32> to vector<2000x128xf32>
    %sub3A_40 = arith.subf %add3A_36, %sub3A : vector<2000x128xf32>
    %mul3A_41 = arith.mulf %sub3A_40, %sub3A_40 : vector<2000x128xf32>
    %reduce_sum3A_42 = arith.constant dense<0.000000e+00> : vector<2000xf32>
    %reduce_sum3A_43 = vector.multi_reduction <add>, %mul3A_41, %reduce_sum3A_42 [1] : vector<2000x128xf32> to vector<2000xf32>
    %broadcast_in_dim3A_44 = vector.shape_cast %reduce_sum3A_43 : vector<2000xf32> to vector<2000x1xf32>
    %div3A_45 = arith.constant 1.280000e+02 : f32
    %div3A_46 = vector.broadcast %div3A_45 : f32 to vector<2000x1xf32>
    %div3A_47 = arith.divf %broadcast_in_dim3A_44, %div3A_46 : vector<2000x1xf32>
    %add3A_48 = arith.constant 9.99999974E-6 : f32
    %add3A_49 = vector.broadcast %add3A_48 : f32 to vector<2000x1xf32>
    %add3A_50 = arith.addf %div3A_47, %add3A_49 : vector<2000x1xf32>
    %rsqrt3A = math.rsqrt %add3A_50 : vector<2000x1xf32>
    %mul3A_51 = vector.broadcast %rsqrt3A : vector<2000x1xf32> to vector<2000x128xf32>
    %mul3A_52 = arith.mulf %sub3A_40, %mul3A_51 : vector<2000x128xf32>
    %get3A_53 = arith.constant 0 : index
    %get3A_54 = arith.constant 0 : index
    %get3A_55 = vector.load %arg6[%get3A_53, %get3A_54] : memref<1x128xf32, #tpu.memory_space<vmem>>, vector<1x128xf32>
    %mul3A_56 = vector.broadcast %get3A_55 : vector<1x128xf32> to vector<2000x128xf32>
    %mul3A_57 = arith.mulf %mul3A_52, %mul3A_56 : vector<2000x128xf32>
    %get3A_58 = arith.constant 0 : index
    %get3A_59 = arith.constant 0 : index
    %get3A_60 = vector.load %arg7[%get3A_58, %get3A_59] : memref<1x128xf32, #tpu.memory_space<vmem>>, vector<1x128xf32>
    %add3A_61 = vector.broadcast %get3A_60 : vector<1x128xf32> to vector<2000x128xf32>
    %add3A_62 = arith.addf %mul3A_57, %add3A_61 : vector<2000x128xf32>
    %max3A = arith.constant 0.000000e+00 : f32
    %max3A_63 = vector.broadcast %max3A : f32 to vector<2000x128xf32>
    %max3A_64 = arith.maximumf %add3A_62, %max3A_63 : vector<2000x128xf32>
    %swap3A = arith.constant 0 : index
    %swap3A_65 = arith.constant 0 : index
    %swap3A_66 = vector.load %arg8[%swap3A, %swap3A_65] : memref<2000x128xf32, #tpu.memory_space<vmem>>, vector<2000x128xf32>
    tpu.vector_store %arg8[%swap3A, %swap3A_65], %max3A_64 {strides = array<i32>} : memref<2000x128xf32, #tpu.memory_space<vmem>>, vector<2000x128xf32>,
    return
  }
  func.func @transform_0(%arg0: i32) -> (i32, i32) {
    %c0_i32 = arith.constant 0 : i32
    %c0_i32_0 = arith.constant 0 : i32
    return %arg0, %c0_i32 : i32, i32
  }
  func.func @transform_1(%arg0: i32) -> (i32, i32, i32) {
    %c0_i32 = arith.constant 0 : i32
    %c0_i32_0 = arith.constant 0 : i32
    %c0_i32_1 = arith.constant 0 : i32
    return %c0_i32, %arg0, %c0_i32_0 : i32, i32, i32
  }
  func.func @transform_2(%arg0: i32) -> (i32, i32, i32) {
    %c0_i32 = arith.constant 0 : i32
    %c0_i32_0 = arith.constant 0 : i32
    %c0_i32_1 = arith.constant 0 : i32
    return %c0_i32, %arg0, %c0_i32_0 : i32, i32, i32
  }
  func.func @transform_3(%arg0: i32) -> (i32, i32) {
    %c0_i32 = arith.constant 0 : i32
    %c0_i32_0 = arith.constant 0 : i32
    %c0_i32_1 = arith.constant 0 : i32
    return %c0_i32, %c0_i32_0 : i32, i32
  }
  func.func @transform_4(%arg0: i32) -> (i32, i32) {
    %c0_i32 = arith.constant 0 : i32
    %c0_i32_0 = arith.constant 0 : i32
    %c0_i32_1 = arith.constant 0 : i32
    return %c0_i32, %c0_i32_0 : i32, i32
  }
  func.func @transform_5(%arg0: i32) -> (i32, i32) {
    %c0_i32 = arith.constant 0 : i32
    %c0_i32_0 = arith.constant 0 : i32
    %c0_i32_1 = arith.constant 0 : i32
    return %c0_i32, %c0_i32_0 : i32, i32
  }
  func.func @transform_6(%arg0: i32) -> (i32, i32) {
    %c0_i32 = arith.constant 0 : i32
    %c0_i32_0 = arith.constant 0 : i32
    %c0_i32_1 = arith.constant 0 : i32
    return %c0_i32, %c0_i32_0 : i32, i32
  }
  func.func @transform_7(%arg0: i32) -> (i32, i32) {
    %c0_i32 = arith.constant 0 : i32
    %c0_i32_0 = arith.constant 0 : i32
    return %arg0, %c0_i32 : i32, i32
  }
}

</mosaic_0001>

<sc_bundles>
// kernel: kernel.4.cloned.1.call-start
scs
__scs_entry_jumppad:
0x0: {  	(pc) =	sbr.rel $0x88, $3  }
0x1: {  	(tag) =	ssettag $0x0;
	lr =	simm.s32 $0x1  }
0x2: {  	[smem:$0x3F9B] =	sst lr;
	_ =	strace $0xD0000000  }
0x3: {  	_ = 	snop  }
0x4: {  	_ = 	snop  }
0x5: {  	_ = 	snop  }
0x6: {  	_ = 	snop  }
0x7: {  	_ = 	snop  }
__scs_overlays_trampoline_lowered:
0x8: {  	[smem:$0x3FAA] =	sst s0  }
0x9: {  	[smem:$0x3FAB] =	sst s1  }
0xa: {  	[smem:$0x3FAC] =	sst s2  }
0xb: {  	[smem:$0x3FAD] =	sst s3  }
0xc: {  	[smem:$0x3FAE] =	sst s4  }
0xd: {  	[smem:$0x3FAF] =	sst s5  }
0xe: {  	[smem:$0x3FB0] =	sst s6  }
0xf: {  	[smem:$0x3FB1] =	sst s7  }
0x10: {  	[smem:$0x3FB2] =	sst s8  }
0x11: {  	[smem:$0x3FB3] =	sst s9;
	s0 =	simm.s32 @!p0 $0x0  }
0x12: {  	s1 =	sld [smem:$0x3F99];
	s0 =	simm.s32 @p0 $0x1  }
0x13: {  	[smem:$0x3FB4] =	sst s0;
	s0 =	simm.s32 @!p1 $0x0  }
0x14: {  	s2 =	sld [smem:$0x3F98];
	s0 =	simm.s32 @p1 $0x1  }
0x15: {  	[smem:$0x3FB5] =	sst s0;
	s0 =	simm.s32 @!p2 $0x0  }
0x16: {  	s3 =	sld [smem:$0x3FDB];
	s0 =	simm.s32 @p2 $0x1  }
0x17: {  	s4 =	simm.s32 $0x1BF5;
	[smem:$0x3FB7] =	sst s0  }
0x18: {  	s0 =	sld [smem:$0x3F9A];
	_ =	swait.ge [sflag:s4], $0x0  }
0x19: {  	s7 =	sld [smem:$0x3F9B]  }
0x1a: {  	s8 =	sadd.s32 $0xFFFFE003, lr  }
0x1b: {  	s9 =	sadd.s32 $0xFFFFFEF7, lr;
	s5 =	simm.s32 $0xFFFFFFFF;
	p2 =	slt.u32 s8, $0xFFFFF086  }
0x1c: {  	p1 =	slt.u32 s9, $0xF7A;
	s5 =	simm.s32 @!p2 $0x0  }
0x1d: {  	s5 =	simm.s32 @p1 $0x1;
	p0 =	seq.s32 s7, s2  }
0x1e: {  	s7 =	smul.u32 @!p0 $0xF7A, s2;
	p2 =	seq.s32 @!p0 s5, $0x0  }
0x1f: {  	s9 =	smul.u32 $0xF7A, s1;
	s8 =	simm.s32 @!p0 $0x1BF5;
	p2 =	por !p2, p0  }
0x20: {  	[sflag:s8] =	ssyncset.s32 @!p0 $0xFFFFF086;
	s6 =	sadd.s32 @!p0 s3, s7;
	s7 =	simm.s32 @!p0 $0x108  }
0x21: {  	s3 =	sadd.s32 s3, s9;
	s6 =	sadd.s32 @!p0 $0x88, s6;
	s7 =	simm.s32 @p2 $0x1082  }
0x22: {  	[simem:s7], [sflag:s8] =	dma.local @!p0 [hbm:s6], $0xF7A  }
0x23: {  	s9 =	sor.u32 $0xD0000000, s2;
	s6 =	simm.s32 $0x108;
	_ =	swait.ge @!p0 [sflag:s8], $0x0  }
0x24: {  	s3 =	sadd.s32 $0x88, s3;
	s6 =	simm.s32 @!p1 $0x1082;
	[sflag:s4] =	ssyncset.s32 $0xFFFFF086  }
0x25: {  	[simem:s6], [sflag:s4] =	dma.local [hbm:s3], $0xF7A  }
0x26: {  	[smem:$0x3F9B] =	sst s1;
	(tag) =	ssettag s2;
	_ =	strace s9  }
0x27: {  	s1 =	sld [smem:$0x3FAB]  }
0x28: {  	s2 =	sld [smem:$0x3FAC]  }
0x29: {  	s4 =	sld [smem:$0x3FAE]  }
0x2a: {  	p0 =	seq.s32 s5, $0x0;
	s5 =	sld [smem:$0x3FAF]  }
0x2b: {  	s6 =	sld [smem:$0x3FB0]  }
0x2c: {  	s7 =	sld [smem:$0x3FB1]  }
0x2d: {  	s3 =	simm.s32 $0x108;
	s8 =	sld [smem:$0x3FB2]  }
0x2e: {  	s3 =	simm.s32 @!p0 $0x1082;
	s9 =	sld [smem:$0x3FB3]  }
0x2f: {  	lr =	sadd.s32 s0, s3;
	s0 =	sld [smem:$0x3FAA]  }
0x30: {  	s3 =	sld [smem:$0x3FAD]  }
0x31: {  	[smem:$0x3FB6] =	sst s10  }
0x32: {  	s10 =	sld [smem:$0x3FB4];
	_ =	sdelay $0x3  }
0x33: {  	p0 =	seq.s32 s10, $0x1;
	s10 =	sld [smem:$0x3FB6];
	_ =	sdelay $0x3  }
0x34: {  	[smem:$0x3FB6] =	sst s10  }
0x35: {  	s10 =	sld [smem:$0x3FB5];
	_ =	sdelay $0x3  }
0x36: {  	p1 =	seq.s32 s10, $0x1;
	s10 =	sld [smem:$0x3FB6];
	_ =	sdelay $0x3  }
0x37: {  	[smem:$0x3FB6] =	sst s10  }
0x38: {  	s10 =	sld [smem:$0x3FB7]  }
0x39: {  	_ = 	snop;
	(pc) =	sbr.ind lr, $3  }
0x3a: {  	_ = 	snop  }
0x3b: {  	_ = 	snop  }
0x3c: {  	p2 =	seq.s32 s10, $0x1;
	s10 =	sld [smem:$0x3FB6]  }
0x3d: {  	_ =	shalt  }
0x3e: {  	_ =	shalt  }
0x3f: {  	_ =	shalt  }
0x40: {  	_ =	shalt  }
0x41: {  	_ =	shalt  }
0x42: {  	_ =	shalt  }
0x43: {  	_ =	shalt  }
0x44: {  	_ =	shalt  }
0x45: {  	_ =	shalt  }
0x46: {  	_ =	shalt  }
0x47: {  	_ =	shalt  }
0x48: {  	_ =	shalt  }
0x49: {  	_ =	shalt  }
0x4a: {  	_ =	shalt  }
0x4b: {  	_ =	shalt  }
0x4c: {  	_ =	shalt  }
0x4d: {  	_ =	shalt  }
0x4e: {  	_ =	shalt  }
0x4f: {  	_ =	shalt  }
0x50: {  	_ =	shalt  }
0x51: {  	_ =	shalt  }
0x52: {  	_ =	shalt  }
0x53: {  	_ =	shalt  }
0x54: {  	_ =	shalt  }
0x55: {  	_ =	shalt  }
0x56: {  	_ =	shalt  }
0x57: {  	_ =	shalt  }
0x58: {  	_ =	shalt  }
0x59: {  	_ =	shalt  }
0x5a: {  	_ =	shalt  }
0x5b: {  	_ =	shalt  }
0x5c: {  	_ =	shalt  }
0x5d: {  	_ =	shalt  }
0x5e: {  	_ =	shalt  }
0x5f: {  	_ =	shalt  }
0x60: {  	_ =	shalt  }
0x61: {  	_ =	shalt  }
0x62: {  	_ =	shalt  }
0x63: {  	_ =	shalt  }
0x64: {  	_ =	shalt  }
0x65: {  	_ =	shalt  }
0x66: {  	_ =	shalt  }
0x67: {  	_ =	shalt  }
0x68: {  	_ =	shalt  }
0x69: {  	_ =	shalt  }
0x6a: {  	_ =	shalt  }
0x6b: {  	_ =	shalt  }
0x6c: {  	_ =	shalt  }
0x6d: {  	_ =	shalt  }
0x6e: {  	_ =	shalt  }
0x6f: {  	_ =	shalt  }
0x70: {  	_ =	shalt  }
0x71: {  	_ =	shalt  }
0x72: {  	_ =	shalt  }
0x73: {  	_ =	shalt  }
0x74: {  	_ =	shalt  }
0x75: {  	_ =	shalt  }
0x76: {  	_ =	shalt  }
0x77: {  	_ =	shalt  }
0x78: {  	_ =	shalt  }
0x79: {  	_ =	shalt  }
0x7a: {  	_ =	shalt  }
0x7b: {  	_ =	shalt  }
0x7c: {  	_ =	shalt  }
0x7d: {  	_ =	shalt  }
0x7e: {  	_ =	shalt  }
0x7f: {  	_ =	shalt  }
0x80: {  	_ =	shalt  }
0x81: {  	_ =	shalt  }
0x82: {  	_ =	shalt  }
0x83: {  	_ =	shalt  }
0x84: {  	_ =	shalt  }
0x85: {  	_ =	shalt  }
0x86: {  	_ =	shalt  }
0x87: {  	_ =	shalt  }
.Lfunc_end0:
.L_simem_size_0:
called_computation_lowered:
.L_overlay_start_0:
0x88: {  	s2 =	sld [smem:$0x3FD9]  }
0x89: {  	s3 =	sld [smem:$0x3FFE];
	_ =	sdelay $0x1  }
0x8a: {  	s1 =	srdreg.scid  }
0x8b: {  	s0 =	sand.u32 $0x1, s1  }
0x8c: {  	s17 =	sshll.u32 s0, $0xA;
	s2 =	sadd.s32 s3, s2  }
0x8d: {  	s2 =	sadd.s32 s2, s17  }
0x8e: {  	[smem:$0x3FC2] =	sst s2  }
0x8f: {  	_ = 	snop  }
0x90: {  	s2 =	sld [smem:$0x3FC9]  }
0x91: {  	s18 =	sld [smem:$0x3FD0];
	(tm) =	ssettm $0x1  }
0x92: {  	s4 =	sld [smem:$0x3FFB];
	_ =	sdelay $0x3  }
0x93: {  	_ =	strace s4  }
0x94: {  	s4 =	sld [smem:$0x3FFC];
	_ =	sdelay $0x3  }
0x95: {  	_ =	strace s4  }
0x96: {  	s4 =	sld [smem:$0x3FFD];
	_ =	sdelay $0x3  }
0x97: {  	_ =	strace s4  }
0x98: {  	_ =	strace $0x8FFFFFFF  }
0x99: {  	s19 =	sld [smem:$0x3FDB];
	_ =	sdelay $0x1  }
0x9a: {  	s5 =	simm.s32 $_scs_section_size  }
0x9b: {  	s6 =	simm.s32 $_size__tile_overlayer_lowered;
	s7 =	simm.s32 $_tile_overlayer_lowered  }
0x9c: {  	s22 =	simm.s32 $0x1BFF;
	s21 =	sshll.u32 s7, $0x1;
	s4 =	sadd.s32 s5, s19  }
0x9d: {  	s8 =	simm.s32 $0x0;
	s20 =	sshll.u32 s6, $0x1;
	s6 =	sadd.s32 s21, s4  }
0x9e: {  	[timem:s8], [sflag:s22] =	dma.local [hbm:s6], s20  }
0x9f: {  	_ =	swait.ge [sflag:s22], s20  }
0xa0: {  	s5 =	ssub.s32 $0x0, s20;
	[sflag:s22] =	ssyncset.done $0x0  }
0xa1: {  	[sflag:s22] =	ssyncadd.s32 s5;
	_ =	sdelay $0x1  }
0xa2: {  	s23 =	simm.s32 $0x1B8B  }
0xa3: {  	_ =	swait.ge [sflag:s23], $0x1  }
0xa4: {  	[sflag:s23] =	ssyncset.done $0x0  }
0xa5: {  	s25 =	simm.s32 $0x1B8E;
	s24 =	sld [smem:$0x3FFE];
	[sflag:s23] =	ssyncadd.s32 $0xFFFFFFFF  }
0xa6: {  	s26 =	simm.s32 $execute0_lowered;
	[smem:$0x3FD2] =	sst s25  }
0xa7: {  	s6 =	sshll.u32 s26, $0x1;
	_ =	strace $0x80000046;
	[dreg:$0x1] =	wrdreg $0xFFFFFFFF  }
0xa8: {  	s28 =	simm.s32 $_size_execute0_lowered;
	s4 =	sadd.s32 s4, s6;
	[dreg:$0x0] =	wrdreg $0x0  }
0xa9: {  	s6 =	sshll.u32 s28, $0x1;
	[dreg:$0x2] =	wrdreg s4  }
0xaa: {  	[dreg:$0x3] =	wrdreg s6  }
0xab: {  	[dreg:$0x4] =	wrdreg $0xC0  }
0xac: {  	_ =	task [dreg:s8], $0x5FFFF  }
0xad: {  	[dreg:$0x1] =	wrdreg $0xFFFFFFFF  }
0xae: {  	[dreg:$0x0] =	wrdreg $0x60  }
0xaf: {  	[dreg:$0x2] =	wrdreg s2  }
0xb0: {  	[dreg:$0x3] =	wrdreg s18  }
0xb1: {  	[dreg:$0x4] =	wrdreg s24  }
0xb2: {  	[dreg:$0x5] =	wrdreg $0x8C000  }
0xb3: {  	[dreg:$0x6] =	wrdreg $0x1CC000  }
0xb4: {  	[dreg:$0x7] =	wrdreg $0x9  }
0xb5: {  	_ =	task.clear_ibuf [dreg:s8], $0x8FFFF;
	_ =	strace $0x90000046  }
0xb6: {  	s29 =	simm.s32 $0x9;
	_ =	strace $0x80000048  }
0xb7: {  	_ =	swait.ge [sflag:s29], $0x1  }
0xb8: {  	[sflag:s29] =	ssyncadd.s32 $0xFFFFFFFF  }
0xb9: {  	_ =	strace $0x90000048  }
0xba: {  	_ =	sfence  }
0xbb: {  	s30 =	sld [smem:$0x0];
	_ =	sdelay $0x2  }
0xbc: {  	s31 =	sshll.u32 s1, $0xD;
	s1 =	sshrl.u32 s1, $0x2  }
0xbd: {  	s3 =	sand.u32 $0x4000, s31;
	s1 =	sadd.s32 s1, s30  }
0xbe: {  	s0 =	sor.u32 s3, s0;
	s1 =	sshll.u32 s1, $0x11  }
0xbf: {  	s0 =	sor.u32 s1, s0  }
0xc0: {  	s0 =	sadd.s32 $0x8F2B, s0  }
0xc1: {  	[sflag:s0] =	ssyncadd.remote.s32 $0x1  }
0xc2: {  	_ =	sfence.sel $0xFFFF  }
0xc3: {  	[dreg:$0x0] =	wrdreg $0xFFFFFFFF;
	(pc) =	sbr.abs _section_cstart, $3  }
0xc4: {  	[dreg:$0x1] =	wrdreg $0xFFFFFFFF  }
0xc5: {  	_ =	task.clear_ibuf [dreg:s8], $0x2FFFF;
	_ =	strace $0x9FFFFFFF  }
0xc6: {  	(tm) =	ssettm $0x7FFFFFFF  }
0xc7: {  	_ =	shalt  }
tec
execute0_lowered:
.L_overlay_start_1:
0x0: {  	(tag) =	ssettag $0x1  }
0x1: {  	s1 =	rddreg [dreg:$0x0]  }
0x2: {  	s0 =	rddreg [dreg:$0x1]  }
0x3: {  	s3 =	rddreg [dreg:$0x2]  }
0x4: {  	s2 =	rddreg [dreg:$0x3]  }
0x5: {  	s4 =	rddreg [dreg:$0x4]  }
0x6: {  	s5 =	simm.s32 $0x0;
	s6 =	srdreg.scid;
	s19 =	stileid.u32  }
0x7: {  	s30 =	simm.s32 $0x8400;
	s28 =	simm.s32 $0x200;
	[smem:$0x7FF] =	sst s5  }
0x8: {  	s8 =	sand.u32 $0x1, s6;
	s9 =	smul.u32 $0x14000, s19;
	s6 =	sadd.s32 $0x1A00, s3  }
0x9: {  	s7 =	sadd.s32 $0x1E00, s3;
	s11 =	smul.u32 $0x2800, s19;
	s12 =	sadd.s32 $0x2A00, s3  }
0xa: {  	s13 =	sadd.s32 $0x2400, s3;
	s20 =	sadd.s32 $0x2200, s3;
	s15 =	smul.u32 $0x50000, s19  }
0xb: {  	s23 =	sshll.u32 s19, $0x6;
	_ =	strace $0x80000047;
	[dreg:$0x6] =	wrdreg s12  }
0xc: {  	s31 =	sshll.u32 s19, $0x4;
	s10 =	smul.u32 $0x140000, s8;
	[dreg:$0x7] =	wrdreg s13  }
0xd: {  	s18 =	smul.u32 $0x28000, s8;
	[dreg:$0x8] =	wrdreg s20;
	s21 =	ssub.s32 $0x2, s8  }
0xe: {  	s22 =	sshll.u32 s8, $0x4;
	s20 =	sor.u32 $0x1C0B, s23;
	s26 =	sshll.u32 s8, $0xB  }
0xf: {  	s8 =	sshll.u32 s8, $0x8;
	s14 =	sshrl.u32 s21, $0x1;
	s13 =	sor.u32 s19, s22  }
0x10: {  	s15 =	sshrl.u32 s15, $0x2;
	[dreg:$0xa] =	wrdreg s20;
	s10 =	sadd.s32 s9, s10  }
0x11: {  	s12 =	sadd.s32 s11, s18;
	s9 =	sadd.s32 s9, s2;
	s24 =	sadd.s32 s15, s2  }
0x12: {  	s18 =	sshll.u32 s19, $0x7;
	s29 =	sshll.u32 s13, $0x4;
	s11 =	sadd.s32 s11, s4  }
0x13: {  	s22 =	sor.u32 $0x60, s13;
	s13 =	simm.s32 $0x280;
	s10 =	sshrl.u32 s10, $0x3  }
0x14: {  	s12 =	sshrl.u32 s12, $0x3;
	[dreg:$0x9] =	wrdreg s9;
	s25 =	sadd.s32 $0x4000, s24  }
0x15: {  	s16 =	sadd.s32 $0x8000, s24;
	s17 =	sadd.s32 $0xC000, s24;
	[dreg:$0xc] =	wrdreg s11  }
0x16: {  	s9 =	sadd.s32 $0x10000, s24;
	s18 =	sor.u32 s18, s26;
	[dreg:$0x12] =	wrdreg s22  }
0x17: {  	s22 =	simm.s32 $0x3;
	s10 =	sadd.s32 s10, s3;
	s3 =	sadd.s32 s12, s3  }
0x18: {  	s12 =	ssub.s32 s21, s14;
	s21 =	sadd.s32 s0, s29;
	s19 =	sadd.s32 $0xFFFB3E00, s18  }
0x19: {  	s0 =	sadd.s32 s8, s0;
	s23 =	sshrl.u32 s25, $0x3;
	[dreg:$0x11] =	wrdreg s19  }
0x1a: {  	s24 =	sshrl.u32 s16, $0x3;
	s25 =	sshrl.u32 s17, $0x3;
	[dreg:$0x13] =	wrdreg s23  }
0x1b: {  	s26 =	sshrl.u32 s9, $0x3;
	s9 =	simm.s32 $0x1;
	[dreg:$0x14] =	wrdreg s24  }
0x1c: {  	s14 =	simm.s32 $0x4400;
	s16 =	simm.s32 $0x5;
	[dreg:$0x15] =	wrdreg s25  }
0x1d: {  	s18 =	simm.s32 $0x7;
	s17 =	simm.s32 $0x200;
	[dreg:$0x16] =	wrdreg s26  }
0x1e: {  	s15 =	sadd.s32 s31, s0;
	s8 =	sadd.s32 $0x9C40, s21;
	[dreg:$0xb] =	wrdreg s21  }
0x1f: {  	s10 =	sadd.s32 $0xD200, s10;
	s11 =	sadd.s32 $0x3200, s3;
	[dreg:$0xd] =	wrdreg s8  }
0x20: {  	s12 =	smax.u32 s12, $0x1;
	s29 =	sadd.s32 $0x9E40, s21;
	[dreg:$0xe] =	wrdreg s10  }
.Ltmp0:
0x21: {  	s31 =	sadd.s32 $0x200, s21;
	[dreg:$0xf] =	wrdreg s11;
	(pc) =	sbr.rel .LBB2_1-.Ltmp0, $4  }
0x22: {  	s0 =	simm.s32 $0x80;
	s19 =	simm.s32 $0x9;
	[dreg:$0x10] =	wrdreg s12  }
0x23: {  	s23 =	simm.s32 $0x6;
	s26 =	simm.s32 $0x4;
	[dreg:$0x17] =	wrdreg s29  }
0x24: {  	s21 =	simm.s32 $0x280;
	[dreg:$0x18] =	wrdreg s31;
	s12 =	simm.s32 $0xB  }
0x25: {  	s10 =	simm.s32 $0x400;
	s11 =	simm.s32 $0x2;
	s8 =	simm.s32 $0x0  }
.LBB2_4:
0x26: {  	_ =	swait.ge [sflag:s23], $0x4000  }
0x27: {  	[sflag:s23] =	ssyncset.done $0x0  }
0x28: {  	[sflag:s23] =	ssyncadd.s32 $0xFFFFC000  }
0x29: {  	[spmem:s2] =	stream.indirect.scatter.add.f32 [tilespmem:s14], [sflag:$0x8], $0x80, s24, s0, $0xb8;
	[tilespmem:$0x1F400] =	vst v63  }
0x2a: {  	_ = 	snop  }
0x2b: {  	[spmem:s4] =	stream.indirect.scatter.add.f32 [tilespmem:s30], [sflag:$0xA], $0x10, s24, s0, $0xb8;
	[tilespmem:$0x1F400] =	vst v63  }
0x2c: {  	_ =	swait.ge [sflag:s18], $0x4000  }
0x2d: {  	[sflag:s18] =	ssyncset.done $0x0  }
0x2e: {  	[sflag:s18] =	ssyncadd.s32 $0xFFFFC000  }
0x2f: {  	_ =	swait.ge [sflag:s19], $0x800  }
0x30: {  	[sflag:s19] =	ssyncset.done $0x0  }
0x31: {  	s3 =	simm.s32 $0x8;
	[sflag:s19] =	ssyncadd.s32 $0xFFFFF800  }
0x32: {  	_ =	swait.ge [sflag:s3], $0x4000  }
0x33: {  	[sflag:s3] =	ssyncset.done $0x0  }
0x34: {  	s12 =	simm.s32 $0xA;
	[sflag:s3] =	ssyncadd.s32 $0xFFFFC000  }
0x35: {  	_ =	swait.ge [sflag:s12], $0x800  }
0x36: {  	[sflag:s12] =	ssyncset.done $0x0  }
0x37: {  	[sflag:s12] =	ssyncadd.s32 $0xFFFFF800  }
0x38: {  	[bflag:$0x0] =	sbarrier.arrive $0xFFFF  }
0x39: {  	s20 =	rddreg [dreg:$0xa]  }
0x3a: {  	s13 =	rddreg [dreg:$0xe]  }
0x3b: {  	s12 =	simm.s32 $0xB;
	s8 =	rddreg [dreg:$0x1a]  }
0x3c: {  	[hbm:s13], [sflag:s20] =	dma.local [spmem:s8], $0x2800  }
0x3d: {  	_ =	swait.ge [sflag:s12], $0x2800  }
0x3e: {  	[sflag:s12] =	ssyncset.done $0x0;
	s24 =	rddreg [dreg:$0xf]  }
0x3f: {  	s25 =	rddreg [dreg:$0x1b];
	[sflag:s12] =	ssyncadd.s32 $0xFFFFD800  }
0x40: {  	[hbm:s24], [sflag:s20] =	dma.local [spmem:s25], $0x500  }
0x41: {  	_ =	swait.ge [sflag:s12], $0x500  }
0x42: {  	s29 =	rddreg [dreg:$0x19]  }
0x43: {  	s31 =	rddreg [dreg:$0x10];
	s8 =	sadd.s32 $0x1, s29  }
0x44: {  	p0 =	sne.s32 s8, s31  }
.Ltmp1:
0x45: {  	_ = 	snop;
	(pc) =	sbr.rel @!p0 .LBB2_5-.Ltmp1, $3  }
0x46: {  	_ =	sdelay $0x1  }
0x47: {  	[sflag:s12] =	ssyncset.done $0x0  }
0x48: {  	s28 =	simm.s32 $0x200;
	s13 =	simm.s32 $0x280;
	[sflag:s12] =	ssyncadd.s32 $0xFFFFFB00  }
.LBB2_1:
0x49: {  	[dreg:$0x19] =	wrdreg s8  }
0x4a: {  	s3 =	rddreg [dreg:$0x9]  }
0x4b: {  	s24 =	sshrl.u32 s3, $0x3;
	s3 =	rddreg [dreg:$0x6]  }
0x4c: {  	[dreg:$0x1a] =	wrdreg s24  }
0x4d: {  	[spmem:s24], [sflag:s20] =	dma.local [hbm:s3], $0x800  }
0x4e: {  	_ =	swait.ge [sflag:s12], $0x800  }
0x4f: {  	[sflag:s12] =	ssyncset.done $0x0  }
0x50: {  	s25 =	rddreg [dreg:$0x13];
	[sflag:s12] =	ssyncadd.s32 $0xFFFFF800  }
0x51: {  	[spmem:s25], [sflag:s20] =	dma.local [hbm:s3], $0x800  }
0x52: {  	_ =	swait.ge [sflag:s12], $0x800  }
0x53: {  	[sflag:s12] =	ssyncset.done $0x0  }
0x54: {  	s29 =	rddreg [dreg:$0x14];
	[sflag:s12] =	ssyncadd.s32 $0xFFFFF800  }
0x55: {  	[spmem:s29], [sflag:s20] =	dma.local [hbm:s3], $0x800  }
0x56: {  	_ =	swait.ge [sflag:s12], $0x800  }
0x57: {  	[sflag:s12] =	ssyncset.done $0x0  }
0x58: {  	s31 =	rddreg [dreg:$0x15];
	[sflag:s12] =	ssyncadd.s32 $0xFFFFF800  }
0x59: {  	[spmem:s31], [sflag:s20] =	dma.local [hbm:s3], $0x800  }
0x5a: {  	_ =	swait.ge [sflag:s12], $0x800  }
0x5b: {  	[sflag:s12] =	ssyncset.done $0x0  }
0x5c: {  	s24 =	rddreg [dreg:$0x16];
	[sflag:s12] =	ssyncadd.s32 $0xFFFFF800  }
0x5d: {  	[spmem:s24], [sflag:s20] =	dma.local [hbm:s3], $0x800  }
0x5e: {  	_ =	swait.ge [sflag:s12], $0x800  }
0x5f: {  	s25 =	rddreg [dreg:$0xc]  }
0x60: {  	[sflag:s12] =	ssyncset.done $0x0;
	s31 =	rddreg [dreg:$0x7];
	s29 =	sshrl.u32 s25, $0x3  }
0x61: {  	[sflag:s12] =	ssyncadd.s32 $0xFFFFF800;
	[dreg:$0x1b] =	wrdreg s29  }
0x62: {  	[spmem:s29], [sflag:s20] =	dma.local [hbm:s31], $0x500  }
0x63: {  	_ =	swait.ge [sflag:s12], $0x500  }
0x64: {  	[sflag:s12] =	ssyncset.done $0x0  }
0x65: {  	s20 =	rddreg [dreg:$0x8];
	[sflag:s12] =	ssyncadd.s32 $0xFFFFFB00  }
0x66: {  	[tilespmem:s30], [sflag:$0xB] =	stream.linear.gather [hbm4b:s20+s5], $0x800, $0x38;
	[tilespmem:$0x1F400] =	vst v63  }
0x67: {  	_ =	swait.ge [sflag:s12], $0x800  }
0x68: {  	[sflag:s12] =	ssyncset.done $0x0  }
0x69: {  	[sflag:s12] =	ssyncadd.s32 $0xFFFFF800  }
0x6a: {  	[bflag:$0x0] =	sbarrier.arrive $0xFFFF  }
0x6b: {  	s24 =	rddreg [dreg:$0xd]  }
0x6c: {  	[tilespmem:s5], [sflag:$0x1] =	stream.linear.gather [hbm4b:s24+s5], $0x80, $0x38;
	[tilespmem:$0x1F400] =	vst v63  }
0x6d: {  	s25 =	rddreg [dreg:$0xb]  }
0x6e: {  	[tilespmem:s28], [sflag:$0x1] =	stream.linear.gather [hbm4b:s25+s5], $0x80, $0x38;
	[tilespmem:$0x1F400] =	vst v63  }
0x6f: {  	s29 =	rddreg [dreg:$0x17]  }
0x70: {  	[tilespmem:s0], [sflag:$0x2] =	stream.linear.gather [hbm4b:s29+s5], $0x80, $0x38;
	[tilespmem:$0x1F400] =	vst v63  }
0x71: {  	s31 =	rddreg [dreg:$0x18]  }
0x72: {  	[tilespmem:s13], [sflag:$0x2] =	stream.linear.gather [hbm4b:s31+s5], $0x80, $0x38;
	[tilespmem:$0x1F400] =	vst v63  }
0x73: {  	_ =	swait.ge [sflag:s9], $0x80  }
0x74: {  	[sflag:s9] =	ssyncset.done $0x0  }
0x75: {  	[sflag:s9] =	ssyncadd.s32 $0xFFFFFF80  }
0x76: {  	_ =	swait.ge [sflag:s9], $0x80  }
0x77: {  	s12 =	simm.s32 $0x0;
	[sflag:s9] =	ssyncset.done $0x0;
	s8 =	rddreg [dreg:$0x12]  }
0x78: {  	s25 =	simm.s32 $0x380;
	s13 =	rddreg [dreg:$0x11];
	[sflag:s9] =	ssyncadd.s32 $0xFFFFFF80  }
0x79: {  	[tilespmem:s10], [sflag:$0x5] =	stream.indirect.gather [hbm4b:s1+s0], $0x80, s5, s0, $0xb8;
	[tilespmem:$0x1F400] =	vst v63  }
.LBB2_2:
0x7a: {  	p0 =	seq.s32 s12, $0x0  }
0x7b: {  	s29 =	simm.s32 @!p0 $0x8  }
0x7c: {  	_ =	swait.ge @!p0 [sflag:s29], $0x4000  }
0x7d: {  	[sflag:s29] =	ssyncset.done @!p0 $0x0  }
0x7e: {  	[sflag:s29] =	ssyncadd.s32 @!p0 $0xFFFFC000;
	s29 =	simm.s32 @!p0 $0xA  }
0x7f: {  	_ =	swait.ge @!p0 [sflag:s29], $0x800  }
0x80: {  	[sflag:s29] =	ssyncset.done @!p0 $0x0  }
0x81: {  	[sflag:s29] =	ssyncadd.s32 @!p0 $0xFFFFF800  }
0x82: {  	_ =	swait.ge [sflag:s11], $0x80  }
0x83: {  	[sflag:s11] =	ssyncset.done $0x0  }
0x84: {  	[sflag:s11] =	ssyncadd.s32 $0xFFFFFF80  }
0x85: {  	_ =	swait.ge [sflag:s11], $0x80  }
0x86: {  	[sflag:s11] =	ssyncset.done $0x0  }
0x87: {  	[sflag:s11] =	ssyncadd.s32 $0xFFFFFF80  }
0x88: {  	[tilespmem:s14], [sflag:$0x6] =	stream.indirect.gather [hbm4b:s1+s0], $0x80, s0, s0, $0xb8;
	[tilespmem:$0x1F400] =	vst v63  }
0x89: {  	_ =	swait.ge [sflag:s16], $0x4000  }
0x8a: {  	s3 =	sadd.s32 $0xFFFFFFE0, s8;
	[sflag:s16] =	ssyncset.done $0x0  }
0x8b: {  	p0 =	sgt.u32 s3, $0x9C3;
	[sflag:s16] =	ssyncadd.s32 $0xFFFFC000  }
0x8c: {  	[spmem:s2] =	stream.indirect.scatter.add.f32 [tilespmem:s10], [sflag:$0x7], $0x80, s28, s0, $0xb8;
	[tilespmem:$0x1F400] =	vst v63  }
0x8d: {  	s29 =	sshrl.u32 @p0 s13, $0x3  }
0x8e: {  	[spmem:s4] =	stream.indirect.scatter.add.f32 [tilespmem:s30], [sflag:$0x9], $0x10, s28, s0, $0xb8;
	[tilespmem:$0x1F400] =	vst v63  }
0x8f: {  	s31 =	simm.s32 @p0 $0x100;
	s20 =	sadd.s32 @p0 s7, s29;
	s28 =	simm.s32 @p0 $0x0  }
0x90: {  	[tilespmem:s31], [sflag:$0x3] =	stream.linear.gather @p0 [hbm4b:s20+s28], $0x80, $0x38;
	[tilespmem:$0x1F400] =	vst v63  }
0x91: {  	s20 =	sadd.s32 @!p0 s12, s15  }
0x92: {  	s3 =	simm.s32 @!p0 $0x100;
	s31 =	simm.s32 @!p0 $0x0;
	s28 =	sadd.s32 @!p0 $0xA040, s20  }
0x93: {  	[tilespmem:s3], [sflag:$0x3] =	stream.linear.gather @!p0 [hbm4b:s28+s31], $0x80, $0x38;
	[tilespmem:$0x1F400] =	vst v63  }
0x94: {  	s20 =	sadd.s32 @!p0 $0x400, s20;
	s3 =	sadd.s32 @p0 s6, s29  }
0x95: {  	s24 =	simm.s32 $0x300;
	s20 =	smov.u32 @p0 s3  }
0x96: {  	[tilespmem:s24], [sflag:$0x3] =	stream.linear.gather [hbm4b:s20+s5], $0x80, $0x38;
	[tilespmem:$0x1F400] =	vst v63  }
0x97: {  	_ =	swait.ge [sflag:s18], $0x4000  }
0x98: {  	[sflag:s18] =	ssyncset.done $0x0  }
0x99: {  	[sflag:s18] =	ssyncadd.s32 $0xFFFFC000  }
0x9a: {  	_ =	swait.ge [sflag:s19], $0x800  }
0x9b: {  	[sflag:s19] =	ssyncset.done $0x0  }
0x9c: {  	[sflag:s19] =	ssyncadd.s32 $0xFFFFF800  }
0x9d: {  	_ =	swait.ge [sflag:s22], $0x80  }
0x9e: {  	[sflag:s22] =	ssyncset.done $0x0  }
0x9f: {  	[sflag:s22] =	ssyncadd.s32 $0xFFFFFF80  }
0xa0: {  	_ =	swait.ge [sflag:s22], $0x80  }
0xa1: {  	[sflag:s22] =	ssyncset.done $0x0  }
0xa2: {  	s20 =	simm.s32 $0x100;
	[sflag:s22] =	ssyncadd.s32 $0xFFFFFF80  }
0xa3: {  	[tilespmem:s10], [sflag:$0x5] =	stream.indirect.gather [hbm4b:s1+s0], $0x80, s20, s0, $0xb8;
	[tilespmem:$0x1F400] =	vst v63  }
0xa4: {  	_ =	swait.ge [sflag:s23], $0x4000  }
0xa5: {  	p0 =	sgt.u32 s8, $0x9C3;
	[sflag:s23] =	ssyncset.done $0x0  }
0xa6: {  	s3 =	sadd.s32 @p0 $0x1000, s13;
	[sflag:s23] =	ssyncadd.s32 $0xFFFFC000  }
0xa7: {  	[spmem:s2] =	stream.indirect.scatter.add.f32 [tilespmem:s14], [sflag:$0x8], $0x80, s21, s0, $0xb8;
	[tilespmem:$0x1F400] =	vst v63  }
0xa8: {  	s3 =	sshrl.u32 @p0 s3, $0x3  }
0xa9: {  	[spmem:s4] =	stream.indirect.scatter.add.f32 [tilespmem:s30], [sflag:$0xA], $0x10, s21, s0, $0xb8;
	[tilespmem:$0x1F400] =	vst v63  }
0xaa: {  	s28 =	simm.s32 @p0 $0x0;
	s29 =	simm.s32 @p0 $0x180;
	s20 =	sadd.s32 @p0 s7, s3  }
0xab: {  	[tilespmem:s29], [sflag:$0x4] =	stream.linear.gather @p0 [hbm4b:s20+s28], $0x80, $0x38;
	[tilespmem:$0x1F400] =	vst v63  }
0xac: {  	s31 =	simm.s32 @!p0 $0x180;
	s3 =	sadd.s32 @p0 s6, s3;
	s20 =	sadd.s32 @!p0 s12, s15  }
0xad: {  	s29 =	simm.s32 @!p0 $0x0;
	s28 =	sadd.s32 @!p0 $0xA240, s20;
	s20 =	sadd.s32 @!p0 $0x600, s20  }
0xae: {  	[tilespmem:s31], [sflag:$0x4] =	stream.linear.gather @!p0 [hbm4b:s28+s29], $0x80, $0x38;
	[tilespmem:$0x1F400] =	vst v63  }
0xaf: {  	s20 =	smov.u32 @p0 s3;
	s28 =	simm.s32 $0x8  }
0xb0: {  	[tilespmem:s25], [sflag:$0x4] =	stream.linear.gather [hbm4b:s20+s5], $0x80, $0x38;
	[tilespmem:$0x1F400] =	vst v63  }
0xb1: {  	_ =	swait.ge [sflag:s28], $0x4000  }
0xb2: {  	[sflag:s28] =	ssyncset.done $0x0  }
0xb3: {  	s29 =	simm.s32 $0xA;
	[sflag:s28] =	ssyncadd.s32 $0xFFFFC000  }
0xb4: {  	_ =	swait.ge [sflag:s29], $0x800  }
0xb5: {  	[sflag:s29] =	ssyncset.done $0x0  }
0xb6: {  	[sflag:s29] =	ssyncadd.s32 $0xFFFFF800  }
0xb7: {  	_ =	swait.ge [sflag:s26], $0x80  }
0xb8: {  	[sflag:s26] =	ssyncset.done $0x0  }
0xb9: {  	[sflag:s26] =	ssyncadd.s32 $0xFFFFFF80  }
0xba: {  	_ =	swait.ge [sflag:s26], $0x80  }
0xbb: {  	[sflag:s26] =	ssyncset.done $0x0  }
0xbc: {  	s31 =	simm.s32 $0x180;
	[sflag:s26] =	ssyncadd.s32 $0xFFFFFF80  }
0xbd: {  	[tilespmem:s14], [sflag:$0x6] =	stream.indirect.gather [hbm4b:s1+s0], $0x80, s31, s0, $0xb8;
	[tilespmem:$0x1F400] =	vst v63  }
0xbe: {  	_ =	swait.ge [sflag:s16], $0x4000  }
0xbf: {  	p0 =	seq.s32 s12, $0x9800;
	[sflag:s16] =	ssyncset.done $0x0  }
.Ltmp2:
0xc0: {  	[sflag:s16] =	ssyncadd.s32 $0xFFFFC000;
	(pc) =	sbr.rel @p0 .LBB2_4-.Ltmp2, $4  }
0xc1: {  	[spmem:s2] =	stream.indirect.scatter.add.f32 [tilespmem:s10], [sflag:$0x7], $0x80, s24, s0, $0xb8;
	[tilespmem:$0x1F400] =	vst v63  }
0xc2: {  	_ = 	snop  }
0xc3: {  	[spmem:s4] =	stream.indirect.scatter.add.f32 [tilespmem:s30], [sflag:$0x9], $0x10, s24, s0, $0xb8;
	[tilespmem:$0x1F400] =	vst v63  }
0xc4: {  	s24 =	simm.s32 $0x380  }
0xc5: {  	s3 =	sadd.s32 $0x20, s8  }
0xc6: {  	p0 =	sgt.u32 s3, $0x9C3  }
0xc7: {  	s3 =	sadd.s32 @p0 $0x2000, s13  }
0xc8: {  	s3 =	sshrl.u32 @p0 s3, $0x3  }
0xc9: {  	s28 =	simm.s32 @p0 $0x0;
	s20 =	sadd.s32 @p0 s7, s3  }
0xca: {  	[tilespmem:s28], [sflag:$0x1] =	stream.linear.gather @p0 [hbm4b:s20+s28], $0x80, $0x38;
	[tilespmem:$0x1F400] =	vst v63  }
0xcb: {  	s29 =	simm.s32 @!p0 $0x0;
	s20 =	sadd.s32 @!p0 s12, s15  }
0xcc: {  	s3 =	sadd.s32 @p0 s6, s3;
	s28 =	sadd.s32 @!p0 $0xA440, s20;
	s20 =	sadd.s32 @!p0 $0x800, s20  }
0xcd: {  	[tilespmem:s29], [sflag:$0x1] =	stream.linear.gather @!p0 [hbm4b:s28+s29], $0x80, $0x38;
	[tilespmem:$0x1F400] =	vst v63  }
0xce: {  	s20 =	smov.u32 @p0 s3  }
0xcf: {  	[tilespmem:s17], [sflag:$0x1] =	stream.linear.gather [hbm4b:s20+s5], $0x80, $0x38;
	[tilespmem:$0x1F400] =	vst v63  }
0xd0: {  	_ =	swait.ge [sflag:s18], $0x4000  }
0xd1: {  	[sflag:s18] =	ssyncset.done $0x0  }
0xd2: {  	[sflag:s18] =	ssyncadd.s32 $0xFFFFC000  }
0xd3: {  	_ =	swait.ge [sflag:s19], $0x800  }
0xd4: {  	[sflag:s19] =	ssyncset.done $0x0  }
0xd5: {  	[sflag:s19] =	ssyncadd.s32 $0xFFFFF800  }
0xd6: {  	_ =	swait.ge [sflag:s9], $0x80  }
0xd7: {  	[sflag:s9] =	ssyncset.done $0x0  }
0xd8: {  	[sflag:s9] =	ssyncadd.s32 $0xFFFFFF80  }
0xd9: {  	_ =	swait.ge [sflag:s9], $0x80  }
0xda: {  	[sflag:s9] =	ssyncset.done $0x0  }
0xdb: {  	[sflag:s9] =	ssyncadd.s32 $0xFFFFFF80  }
0xdc: {  	[tilespmem:s10], [sflag:$0x5] =	stream.indirect.gather [hbm4b:s1+s0], $0x80, s5, s0, $0xb8;
	[tilespmem:$0x1F400] =	vst v63  }
0xdd: {  	s31 =	sadd.s32 $0x40, s8;
	_ =	swait.ge [sflag:s23], $0x4000  }
0xde: {  	s25 =	simm.s32 $0x380;
	p0 =	sgt.u32 s31, $0x9C3;
	[sflag:s23] =	ssyncset.done $0x0  }
0xdf: {  	s8 =	sadd.s32 $0x80, s8;
	s3 =	sadd.s32 @p0 $0x3000, s13;
	[sflag:s23] =	ssyncadd.s32 $0xFFFFC000  }
0xe0: {  	[spmem:s2] =	stream.indirect.scatter.add.f32 [tilespmem:s14], [sflag:$0x8], $0x80, s24, s0, $0xb8;
	[tilespmem:$0x1F400] =	vst v63  }
0xe1: {  	s28 =	simm.s32 @p0 $0x0;
	s29 =	simm.s32 @p0 $0x80;
	s3 =	sshrl.u32 @p0 s3, $0x3  }
0xe2: {  	[spmem:s4] =	stream.indirect.scatter.add.f32 [tilespmem:s30], [sflag:$0xA], $0x10, s24, s0, $0xb8;
	[tilespmem:$0x1F400] =	vst v63  }
0xe3: {  	s31 =	simm.s32 @!p0 $0x80;
	s13 =	sadd.s32 $0x4000, s13;
	s20 =	sadd.s32 @p0 s7, s3  }
0xe4: {  	[tilespmem:s29], [sflag:$0x2] =	stream.linear.gather @p0 [hbm4b:s20+s28], $0x80, $0x38;
	[tilespmem:$0x1F400] =	vst v63  }
.Ltmp3:
0xe5: {  	s3 =	sadd.s32 @p0 s6, s3;
	s20 =	sadd.s32 @!p0 s12, s15;
	(pc) =	sbr.rel .LBB2_2-.Ltmp3, $4  }
0xe6: {  	s29 =	simm.s32 @!p0 $0x0;
	s28 =	sadd.s32 @!p0 $0xA640, s20;
	s20 =	sadd.s32 @!p0 $0xA00, s20  }
0xe7: {  	[tilespmem:s31], [sflag:$0x2] =	stream.linear.gather @!p0 [hbm4b:s28+s29], $0x80, $0x38;
	[tilespmem:$0x1F400] =	vst v63  }
0xe8: {  	s12 =	sadd.s32 $0x800, s12;
	s20 =	smov.u32 @p0 s3;
	s28 =	simm.s32 $0x200  }
0xe9: {  	[tilespmem:s21], [sflag:$0x2] =	stream.linear.gather [hbm4b:s20+s5], $0x80, $0x38;
	[tilespmem:$0x1F400] =	vst v63  }
.LBB2_5:
0xea: {  	_ =	sfence.sel $0x180000  }
0xeb: {  	[bflag:$0x0] =	sbarrier.arrive $0xFFFF  }
0xec: {  	_ =	strace $0x90000047  }
0xed: {  	s0 =	stileid.u32;
	[bflag:$0x2] =	sbarrier.arrive $0xFFFF  }
0xee: {  	p0 =	sne.s32 s0, $0x0;
	s0 =	rddreg [dreg:$0x5]  }
0xef: {  	s0 =	sadd.s32 @!p0 $0x100000, s0  }
0xf0: {  	[sflag:s0] =	ssyncadd.tile.s32 @!p0 $0x1;
	_ =	shalt  }
.Lfunc_end2:
_tile_overlayer_lowered:
.L_overlay_start_2:
0xf1: {  	(tag) =	ssettag $0x2  }
0xf2: {  	s0 =	rddreg [dreg:$0x0];
	s2 =	stileid.u32  }
0xf3: {  	s1 =	rddreg [dreg:$0x1];
	p0 =	sne.s32 s2, $0x0  }
0xf4: {  	s3 =	rddreg [dreg:$0x2];
	[bflag:$0x3] =	sbarrier.arrive $0xFFFF;
	s2 =	simm.s32 @!p0 $0x1C0B  }
0xf5: {  	[timem:s3], [sflag:s2] =	dma.local @!p0 [hbm:s0], s1  }
0xf6: {  	s0 =	simm.s32 @!p0 $0xB  }
0xf7: {  	_ =	swait.ge @!p0 [sflag:s0], s1  }
0xf8: {  	s1 =	ssub.s32 @!p0 $0x0, s1;
	[sflag:s0] =	ssyncset.done @!p0 $0x0  }
0xf9: {  	[sflag:s0] =	ssyncadd.s32 @!p0 s1  }
0xfa: {  	[bflag:$0x3] =	sbarrier.arrive $0xFFFF  }
0xfb: {  	_ =	shalt  }

</sc_bundles>
